<compile_context>
chip_gen: v7x
topology: tpu7x:2x2x1
jax: 0.10.2.dev20260603
libtpu: 0.0.44.dev20260713+nightly
codegen_flags: <defaults>
</compile_context>

<pallas_src>
import functools

import jax
import jax.numpy as jnp
from jax import lax
from jax.experimental import pallas as pl
from jax.experimental.pallas import tpu as pltpu
from jax.experimental.pallas import tpu_sc as plsc


def _tc_body(x_ref, we_ref, be_ref, cb_ref, wd_ref, bd_ref,
             q_ref, loss_ref, table_ref):
    i = pl.program_id(0)
    cb = cb_ref[...]
    K = cb.shape[0]

    @pl.when(i == 0)
    def _():
        tbl = jnp.dot(cb, wd_ref[...],
                      preferred_element_type=jnp.float32) + bd_ref[...]
        pad = table_ref.shape[1] - tbl.shape[1]
        table_ref[...] = jnp.concatenate(
            [tbl, jnp.zeros((tbl.shape[0], pad), jnp.float32)], axis=1)

    x3 = x_ref[...]
    x = x3.reshape(x3.shape[0] * x3.shape[1], x3.shape[2])
    z = jnp.dot(x, we_ref[...], preferred_element_type=jnp.float32) + be_ref[...]
    zt = z.T
    csq = jnp.sum(cb * cb, axis=1)
    st = lax.dot_general(2.0 * cb, zt, (((1,), (0,)), ((), ())),
                         preferred_element_type=jnp.float32) - csq[:, None]
    G = K // 8
    s3 = st.reshape(G, 8, st.shape[1])
    best = s3[0]
    bj = jnp.zeros(best.shape, jnp.int32)
    for j in range(1, G):
        cur = s3[j]
        pred = cur > best
        best = jnp.where(pred, cur, best)
        bj = jnp.where(pred, jnp.int32(j), bj)
    sub = lax.broadcasted_iota(jnp.int32, best.shape, 0)
    cidx = bj * 8 + sub
    m = jnp.max(best, axis=0)
    q = jnp.min(jnp.where(best == m[None, :], cidx, jnp.int32(K)), axis=0)
    q_ref[0, 0, :] = q
    part = (jnp.sum(z * z) - jnp.sum(m)).reshape(1, 1)
    prev = jnp.where(i == 0, jnp.zeros((1, 1), jnp.float32), loss_ref[...])
    loss_ref[...] = prev + part


def _tc_body_dec(x_ref, we_ref, be_ref, cb_ref, wd_ref, bd_ref,
                 q_ref, loss_ref, xr_ref, tbl_ref):
    i = pl.program_id(0)
    cb = cb_ref[...]
    K = cb.shape[0]

    @pl.when(i == 0)
    def _():
        tbl_ref[...] = jnp.dot(cb, wd_ref[...],
                               preferred_element_type=jnp.float32) + bd_ref[...]

    x3 = x_ref[...]
    x = x3.reshape(x3.shape[0] * x3.shape[1], x3.shape[2])
    z = jnp.dot(x, we_ref[...], preferred_element_type=jnp.float32) + be_ref[...]
    zt = z.T
    csq = jnp.sum(cb * cb, axis=1)
    st = lax.dot_general(2.0 * cb, zt, (((1,), (0,)), ((), ())),
                         preferred_element_type=jnp.float32) - csq[:, None]
    G = K // 8
    s3 = st.reshape(G, 8, st.shape[1])
    best = s3[0]
    bj = jnp.zeros(best.shape, jnp.int32)
    for j in range(1, G):
        cur = s3[j]
        pred = cur > best
        best = jnp.where(pred, cur, best)
        bj = jnp.where(pred, jnp.int32(j), bj)
    sub = lax.broadcasted_iota(jnp.int32, best.shape, 0)
    cidx = bj * 8 + sub
    m = jnp.max(best, axis=0)
    q = jnp.min(jnp.where(best == m[None, :], cidx, jnp.int32(K)), axis=0)
    q_ref[0, 0, :] = q
    part = (jnp.sum(z * z) - jnp.sum(m)).reshape(1, 1)
    prev = jnp.where(i == 0, jnp.zeros((1, 1), jnp.float32), loss_ref[...])
    loss_ref[...] = prev + part

    lane = lax.broadcasted_iota(jnp.int32, (q.shape[0], K), 1)
    onehot = jnp.where(lane == q[:, None], jnp.float32(1.0), jnp.float32(0.0))
    xr = jnp.dot(onehot, tbl_ref[...], preferred_element_type=jnp.float32)
    xr_ref[...] = xr.reshape(xr_ref.shape)


def _slice_body(src_ref, dst_ref):
    dst_ref[...] = src_ref[:, :, :dst_ref.shape[2]]


def _slice_alias_body(src_ref, prev_ref, dst_ref):
    del prev_ref
    dst_ref[...] = src_ref[:, :, :dst_ref.shape[2]]


def _make_sc_gather(batch, seq, dpad):
    info = plsc.get_sparse_core_info()
    nc, ns = info.num_cores, info.num_subcores
    nw = nc * ns
    chunk = 128
    n_tokens = batch * seq
    per_w = n_tokens // nw
    n_ch = per_w // chunk
    nbuf = 3
    assert per_w % chunk == 0 and seq % chunk == 0

    @functools.partial(
        pl.kernel,
        mesh=plsc.VectorSubcoreMesh(core_axis_name="c", subcore_axis_name="s"),
        out_type=jax.ShapeDtypeStruct((batch, seq, dpad), jnp.float32),
        scratch_types=(
            [pltpu.VMEM((n_ch, chunk), jnp.int32),
             pltpu.VMEM((nbuf, chunk, dpad), jnp.float32)]
            + [pltpu.SemaphoreType.DMA] * (2 * nbuf)
        ),
    )
    def sc_gather(table_hbm, idx_hbm, out_hbm, idx_v, rows_v, *sems):
        gsem, ssem = sems[:nbuf], sems[nbuf:]
        wid = lax.axis_index("s") * nc + lax.axis_index("c")
        base = wid * per_w
        pltpu.sync_copy(idx_hbm.at[wid], idx_v)
        gcp = [None] * n_ch
        scp = [None] * n_ch

        def fire(c):
            gcp[c] = pltpu.async_copy(
                table_hbm.at[idx_v.at[c]], rows_v.at[c % nbuf], gsem[c % nbuf])

        for c in range(min(nbuf, n_ch)):
            fire(c)
        for c in range(n_ch):
            gcp[c].wait()
            t0 = base + c * chunk
            scp[c] = pltpu.async_copy(
                rows_v.at[c % nbuf],
                out_hbm.at[t0 // seq, pl.ds(t0 % seq, chunk)],
                ssem[c % nbuf])
            if c + nbuf < n_ch:
                scp[c].wait()
                fire(c + nbuf)
        for c in range(n_ch):
            if c + nbuf >= n_ch:
                scp[c].wait()

    return sc_gather


def kernel(x, W_enc, b_enc, codebook, W_dec, b_dec):
    B, T, D_in = x.shape
    K, D_lat = codebook.shape
    N = B * T
    BLK = 2048
    DPAD = 128
    BB = BLK // T
    BH = B // 2
    nblk_h = BH // BB
    n_half = BH * T

    nblk = B // BB
    B_SC = B // 8
    nblk_sc = B_SC // BB
    nblk_tc = nblk - nblk_sc
    n_sc = B_SC * T

    args = (x, W_enc, b_enc.reshape(1, D_lat), codebook, W_dec,
            b_dec.reshape(1, D_in))
    in_specs = [
        pl.BlockSpec((BB, T, D_in), lambda i: (i, 0, 0)),
        pl.BlockSpec((D_in, D_lat), lambda i: (0, 0)),
        pl.BlockSpec((1, D_lat), lambda i: (0, 0)),
        pl.BlockSpec((K, D_lat), lambda i: (0, 0)),
        pl.BlockSpec((D_lat, D_in), lambda i: (0, 0)),
        pl.BlockSpec((1, D_in), lambda i: (0, 0)),
    ]
    in_specs_b = list(in_specs)
    in_specs_b[0] = pl.BlockSpec((BB, T, D_in),
                                 lambda i: (i + nblk_tc, 0, 0))

    qb3, loss_b, table = pl.pallas_call(
        _tc_body,
        grid=(nblk_sc,),
        in_specs=in_specs_b,
        out_specs=[
            pl.BlockSpec((1, 1, BLK), lambda i: (i, 0, 0)),
            pl.BlockSpec((1, 1), lambda i: (0, 0)),
            pl.BlockSpec((K, DPAD), lambda i: (0, 0)),
        ],
        out_shape=[
            jax.ShapeDtypeStruct((nblk_sc, 1, BLK), jnp.int32),
            jax.ShapeDtypeStruct((1, 1), jnp.float32),
            jax.ShapeDtypeStruct((K, DPAD), jnp.float32),
        ],
    )(*args)

    nw = 32
    pad_b = _make_sc_gather(B_SC, T, DPAD)(
        table, qb3.reshape(nw, n_sc // (nw * 128), 128))

    qa3, loss_a, half_out = pl.pallas_call(
        _tc_body_dec,
        grid=(nblk_tc,),
        in_specs=in_specs,
        out_specs=[
            pl.BlockSpec((1, 1, BLK), lambda i: (i, 0, 0)),
            pl.BlockSpec((1, 1), lambda i: (0, 0)),
            pl.BlockSpec((BB, T, D_in), lambda i: (i, 0, 0)),
        ],
        out_shape=[
            jax.ShapeDtypeStruct((nblk_tc, 1, BLK), jnp.int32),
            jax.ShapeDtypeStruct((1, 1), jnp.float32),
            jax.ShapeDtypeStruct((B, T, D_in), jnp.float32),
        ],
        scratch_shapes=[pltpu.VMEM((K, D_in), jnp.float32)],
    )(*args)

    SB = 4
    nsb_tc = (B - B_SC) // SB
    x_reco = pl.pallas_call(
        _slice_alias_body,
        grid=(B_SC // SB,),
        in_specs=[
            pl.BlockSpec((SB, T, DPAD), lambda i: (i, 0, 0)),
            pl.BlockSpec(memory_space=pl.ANY),
        ],
        out_specs=pl.BlockSpec((SB, T, D_in), lambda i: (i + nsb_tc, 0, 0)),
        out_shape=jax.ShapeDtypeStruct((B, T, D_in), jnp.float32),
        input_output_aliases={1: 0},
    )(pad_b, half_out)

    q = jnp.concatenate([qa3, qb3], axis=0).reshape(B, T)
    loss = ((loss_a[0, 0] + loss_b[0, 0]) / jnp.float32(N * D_lat)).reshape(())
    return (x_reco, loss, q)

# --- scband reference (transcript-rebuilt; emitter-appended) ---
"""Pipeline reference for scband-vqvaemlp-35802847379969 (READ-ONLY COPY).

The authoritative reference and input builder live on the scoring server;
editing this copy changes nothing except your own understanding.
"""

import jax, jax.numpy as jnp
import numpy as np

def setup_inputs(seed: int = 0) -> dict:
    key = jax.random.key(seed)
    ks = jax.random.split(key, 6)
    B, T, D_in, D_lat, K = 64, 1024, 96, 32, 512
    x = jax.random.normal(ks[0], (B, T, D_in), dtype=jnp.float32)
    W_enc = jax.random.normal(ks[1], (D_in, D_lat), dtype=jnp.float32) * (1.0 / np.sqrt(D_in))
    b_enc = jnp.zeros((D_lat,), dtype=jnp.float32)
    codebook = jax.random.normal(ks[2], (K, D_lat), dtype=jnp.float32)
    W_dec = jax.random.normal(ks[3], (D_lat, D_in), dtype=jnp.float32) * (1.0 / np.sqrt(D_lat))
    b_dec = jnp.zeros((D_in,), dtype=jnp.float32)
    return {"x": x, "W_enc": W_enc, "b_enc": b_enc, "codebook": codebook, "W_dec": W_dec, "b_dec": b_dec}

def reference(x, W_enc, b_enc, codebook, W_dec, b_dec):
    beta = 0.95
    # encoder (single linear, since encoder_layers=None)
    z = jnp.einsum('btd,de->bte', x, W_enc) + b_enc
    B, T, D = z.shape
    flat = z.reshape(-1, D)
    # squared L2 distance to each code
    d2 = (jnp.sum(flat * flat, axis=1, keepdims=True)
          - 2.0 * flat @ codebook.T
          + jnp.sum(codebook * codebook, axis=1)[None, :])
    q = jnp.argmin(d2, axis=1)
    z_q = jnp.take(codebook, q, axis=0).reshape(B, T, D)
    # VQ loss (commitment-weighted, vqtorch-style beta)
    loss = (beta * jnp.mean((z - jax.lax.stop_gradient(z_q)) ** 2)
            + (1.0 - beta) * jnp.mean((jax.lax.stop_gradient(z) - z_q) ** 2))
    # straight-through estimator
    z_q_st = z + jax.lax.stop_gradient(z_q - z)
    # decoder (single linear, since decoder_layers=None)
    x_reco = jnp.einsum('bte,ed->btd', z_q_st, W_dec) + b_dec
    return (x_reco, loss, q.reshape(B, T).astype(jnp.int32))

if __name__ == "__main__":
    import jax
    _d = setup_inputs()
    print(jax.jit(kernel)(*tuple(_d.values())))

</pallas_src>

<mosaic_0001>
#map = affine_map<(d0, d1) -> (0, 0)>
#map1 = affine_map<(d0, d1) -> (0, 0, 0)>
module attributes {stable_mosaic.version = 14 : i64} {
  func.func @sc_gather(%arg0: i32, %arg1: i32, %arg2: memref<512x128xf32, #tpu.memory_space<hbm>>, %arg3: memref<32x2x128xi32, #tpu.memory_space<hbm>>, %arg4: memref<8x1024x128xf32, #tpu.memory_space<hbm>>, %arg5: memref<2x128xi32, #tpu.memory_space<vmem>>, %arg6: memref<3x128x128xf32, #tpu.memory_space<vmem>>, %arg7: memref<!tpu.dma_semaphore, #tpu.memory_space<semaphore_mem>>, %arg8: memref<!tpu.dma_semaphore, #tpu.memory_space<semaphore_mem>>, %arg9: memref<!tpu.dma_semaphore, #tpu.memory_space<semaphore_mem>>, %arg10: memref<!tpu.dma_semaphore, #tpu.memory_space<semaphore_mem>>, %arg11: memref<!tpu.dma_semaphore, #tpu.memory_space<semaphore_mem>>, %arg12: memref<!tpu.dma_semaphore, #tpu.memory_space<semaphore_mem>>) attributes {dimension_semantics = [#tpu.dimension_semantics<core_parallel>, #tpu.dimension_semantics<subcore_parallel>], iteration_bounds = array<i64: 2, 16>, scalar_prefetch = 0 : i64, scratch_operands = 8 : i64, tpu.core_type = #tpu.core_type<sc_vector_subcore>, window_params = [{transform_indices = #map}, {transform_indices = #map1}, {transform_indices = #map1}]} {
    %mul3A = arith.constant 2 : i32
    %mul3A_0 = arith.muli %arg1, %mul3A : i32
    %add3A = arith.addi %mul3A_0, %arg0 : i32
    %mul3A_1 = arith.constant 256 : i32
    %mul3A_2 = arith.muli %add3A, %mul3A_1 : i32
    "tpu.region"() ({
      %run_scoped3A = tpu.sem_alloc : memref<!tpu.dma_semaphore, #tpu.memory_space<semaphore_mem>>
      %dma_start3A_183 = arith.constant 0 : i32
      %dma_start3A_184 = arith.constant 0 : i32
      %dma_start3A_185 = tpu.memref_slice %arg3[%add3A, %dma_start3A_183, %dma_start3A_184] : memref<32x2x128xi32, #tpu.memory_space<hbm>> -> memref<1x2x128xi32, #tpu.memory_space<hbm>>
      %dma_start3A_186 = tpu.memref_squeeze %dma_start3A_185 : memref<1x2x128xi32, #tpu.memory_space<hbm>> -> memref<2x128xi32, #tpu.memory_space<hbm>>
      %dma_start3A_187 = arith.constant 0 : i32
      %dma_start3A_188 = arith.constant 0 : i32
      %dma_start3A_189 = tpu.memref_slice %arg3[%add3A, %dma_start3A_187, %dma_start3A_188] : memref<32x2x128xi32, #tpu.memory_space<hbm>> -> memref<1x2x128xi32, #tpu.memory_space<hbm>>
      %dma_start3A_190 = tpu.memref_squeeze %dma_start3A_189 : memref<1x2x128xi32, #tpu.memory_space<hbm>> -> memref<2x128xi32, #tpu.memory_space<hbm>>
      tpu.enqueue_dma source(%dma_start3A_190 : memref<2x128xi32, #tpu.memory_space<hbm>>) target(%arg5 : memref<2x128xi32, #tpu.memory_space<vmem>>) target_semaphore(%run_scoped3A : memref<!tpu.dma_semaphore, #tpu.memory_space<semaphore_mem>>)
      %dma_wait3A_191 = arith.constant 0 : i32
      %dma_wait3A_192 = arith.constant 0 : i32
      %dma_wait3A_193 = tpu.memref_slice %arg3[%add3A, %dma_wait3A_191, %dma_wait3A_192] : memref<32x2x128xi32, #tpu.memory_space<hbm>> -> memref<1x2x128xi32, #tpu.memory_space<hbm>>
      %dma_wait3A_194 = tpu.memref_squeeze %dma_wait3A_193 : memref<1x2x128xi32, #tpu.memory_space<hbm>> -> memref<2x128xi32, #tpu.memory_space<hbm>>
      %dma_wait3A_195 = arith.constant 0 : i32
      %dma_wait3A_196 = arith.constant 0 : i32
      %dma_wait3A_197 = tpu.memref_slice %arg3[%add3A, %dma_wait3A_195, %dma_wait3A_196] : memref<32x2x128xi32, #tpu.memory_space<hbm>> -> memref<1x2x128xi32, #tpu.memory_space<hbm>>
      %dma_wait3A_198 = tpu.memref_squeeze %dma_wait3A_197 : memref<1x2x128xi32, #tpu.memory_space<hbm>> -> memref<2x128xi32, #tpu.memory_space<hbm>>
      tpu.wait_dma2 semaphore(%run_scoped3A : memref<!tpu.dma_semaphore, #tpu.memory_space<semaphore_mem>>) src(%dma_wait3A_198 : memref<2x128xi32, #tpu.memory_space<hbm>>) dst(%arg5 : memref<2x128xi32, #tpu.memory_space<vmem>>)
      tpu.yield
    }) : () -> ()
    %dma_start3A = arith.constant 0 : i32
    %dma_start3A_3 = arith.constant 0 : i32
    %dma_start3A_4 = arith.constant 0 : i32
    %dma_start3A_5 = arith.constant 0 : i32
    %dma_start3A_6 = tpu.memref_slice %arg6[%dma_start3A_3, %dma_start3A_4, %dma_start3A_5] : memref<3x128x128xf32, #tpu.memory_space<vmem>> -> memref<1x128x128xf32, #tpu.memory_space<vmem>>
    %dma_start3A_7 = tpu.memref_squeeze %dma_start3A_6 : memref<1x128x128xf32, #tpu.memory_space<vmem>> -> memref<128x128xf32, #tpu.memory_space<vmem>>
    %dma_start3A_8 = arith.constant 0 : i32
    %dma_start3A_9 = tpu.memref_slice %arg5[%dma_start3A, %dma_start3A_8] : memref<2x128xi32, #tpu.memory_space<vmem>> -> memref<1x128xi32, #tpu.memory_space<vmem>>
    %dma_start3A_10 = tpu.memref_squeeze %dma_start3A_9 : memref<1x128xi32, #tpu.memory_space<vmem>> -> memref<128xi32, #tpu.memory_space<vmem>>
    %dma_start3A_11 = arith.constant 0 : i32
    %dma_start3A_12 = arith.constant 0 : i32
    %dma_start3A_13 = tpu.memref_slice %arg2[%dma_start3A_11, %dma_start3A_12] : memref<512x128xf32, #tpu.memory_space<hbm>> -> memref<512x128xf32, #tpu.memory_space<hbm>>
    tpu.enqueue_indirect_dma source(%dma_start3A_13 : memref<512x128xf32, #tpu.memory_space<hbm>>) target(%dma_start3A_7 : memref<128x128xf32, #tpu.memory_space<vmem>>) offsets(%dma_start3A_10 : memref<128xi32, #tpu.memory_space<vmem>>) semaphore(%arg7 : memref<!tpu.dma_semaphore, #tpu.memory_space<semaphore_mem>>)
    %dma_start3A_14 = arith.constant 1 : i32
    %dma_start3A_15 = arith.constant 1 : i32
    %dma_start3A_16 = arith.constant 0 : i32
    %dma_start3A_17 = arith.constant 0 : i32
    %dma_start3A_18 = tpu.memref_slice %arg6[%dma_start3A_15, %dma_start3A_16, %dma_start3A_17] : memref<3x128x128xf32, #tpu.memory_space<vmem>> -> memref<1x128x128xf32, #tpu.memory_space<vmem>>
    %dma_start3A_19 = tpu.memref_squeeze %dma_start3A_18 : memref<1x128x128xf32, #tpu.memory_space<vmem>> -> memref<128x128xf32, #tpu.memory_space<vmem>>
    %dma_start3A_20 = arith.constant 0 : i32
    %dma_start3A_21 = tpu.memref_slice %arg5[%dma_start3A_14, %dma_start3A_20] : memref<2x128xi32, #tpu.memory_space<vmem>> -> memref<1x128xi32, #tpu.memory_space<vmem>>
    %dma_start3A_22 = tpu.memref_squeeze %dma_start3A_21 : memref<1x128xi32, #tpu.memory_space<vmem>> -> memref<128xi32, #tpu.memory_space<vmem>>
    %dma_start3A_23 = arith.constant 0 : i32
    %dma_start3A_24 = arith.constant 0 : i32
    %dma_start3A_25 = tpu.memref_slice %arg2[%dma_start3A_23, %dma_start3A_24] : memref<512x128xf32, #tpu.memory_space<hbm>> -> memref<512x128xf32, #tpu.memory_space<hbm>>
    tpu.enqueue_indirect_dma source(%dma_start3A_25 : memref<512x128xf32, #tpu.memory_space<hbm>>) target(%dma_start3A_19 : memref<128x128xf32, #tpu.memory_space<vmem>>) offsets(%dma_start3A_22 : memref<128xi32, #tpu.memory_space<vmem>>) semaphore(%arg8 : memref<!tpu.dma_semaphore, #tpu.memory_space<semaphore_mem>>)
    %dma_wait3A = arith.constant 0 : i32
    %dma_wait3A_26 = arith.constant 0 : i32
    %dma_wait3A_27 = arith.constant 0 : i32
    %dma_wait3A_28 = arith.constant 0 : i32
    %dma_wait3A_29 = tpu.memref_slice %arg6[%dma_wait3A_26, %dma_wait3A_27, %dma_wait3A_28] : memref<3x128x128xf32, #tpu.memory_space<vmem>> -> memref<1x128x128xf32, #tpu.memory_space<vmem>>
    %dma_wait3A_30 = tpu.memref_squeeze %dma_wait3A_29 : memref<1x128x128xf32, #tpu.memory_space<vmem>> -> memref<128x128xf32, #tpu.memory_space<vmem>>
    %dma_wait3A_31 = arith.constant 0 : i32
    %dma_wait3A_32 = tpu.memref_slice %arg5[%dma_wait3A, %dma_wait3A_31] : memref<2x128xi32, #tpu.memory_space<vmem>> -> memref<1x128xi32, #tpu.memory_space<vmem>>
    %dma_wait3A_33 = tpu.memref_squeeze %dma_wait3A_32 : memref<1x128xi32, #tpu.memory_space<vmem>> -> memref<128xi32, #tpu.memory_space<vmem>>
    %dma_wait3A_34 = arith.constant 0 : i32
    %dma_wait3A_35 = arith.constant 0 : i32
    %dma_wait3A_36 = tpu.memref_slice %arg2[%dma_wait3A_34, %dma_wait3A_35] : memref<512x128xf32, #tpu.memory_space<hbm>> -> memref<512x128xf32, #tpu.memory_space<hbm>>
    tpu.wait_indirect_dma semaphore(%arg7 : memref<!tpu.dma_semaphore, #tpu.memory_space<semaphore_mem>>) src(%dma_wait3A_36 : memref<512x128xf32, #tpu.memory_space<hbm>>) dst(%dma_wait3A_30 : memref<128x128xf32, #tpu.memory_space<vmem>>)
    %add3A_37 = arith.constant 0 : i32
    %add3A_38 = arith.addi %mul3A_2, %add3A_37 : i32
    %jit3A = arith.constant 1024 : i32
    %div3A = arith.divsi %add3A_38, %jit3A : i32
    %sign3A = arith.constant 0 : i32
    %sign3A_39 = arith.cmpi sgt, %add3A_38, %sign3A : i32
    %sign3A_40 = arith.extui %sign3A_39 : i1 to i32
    %sign3A_41 = arith.constant 0 : i32
    %sign3A_42 = arith.cmpi slt, %add3A_38, %sign3A_41 : i32
    %sign3A_43 = arith.extui %sign3A_42 : i1 to i32
    %sign3A_44 = arith.subi %sign3A_40, %sign3A_43 : i32
    %sign3A_45 = arith.constant 0 : i32
    %sign3A_46 = arith.cmpi sgt, %jit3A, %sign3A_45 : i32
    %sign3A_47 = arith.extui %sign3A_46 : i1 to i32
    %sign3A_48 = arith.constant 0 : i32
    %sign3A_49 = arith.cmpi slt, %jit3A, %sign3A_48 : i32
    %sign3A_50 = arith.extui %sign3A_49 : i1 to i32
    %sign3A_51 = arith.subi %sign3A_47, %sign3A_50 : i32
    %ne3A = arith.cmpi ne, %sign3A_44, %sign3A_51 : i32
    %rem3A = arith.remsi %add3A_38, %jit3A : i32
    %ne3A_52 = arith.constant 0 : i32
    %ne3A_53 = arith.cmpi ne, %rem3A, %ne3A_52 : i32
    %and3A = arith.andi %ne3A, %ne3A_53 : i1
    %sub3A = arith.constant 1 : i32
    %sub3A_54 = arith.subi %div3A, %sub3A : i32
    %select_n3A = arith.select %and3A, %sub3A_54, %div3A : i32
    %jit3A_55 = arith.constant 1024 : i32
    %eq3A = arith.constant 0 : i32
    %eq3A_56 = arith.cmpi eq, %jit3A_55, %eq3A : i32
    %jit3A_57 = arith.constant 1 : i32
    %select_n3A_58 = arith.select %eq3A_56, %jit3A_57, %jit3A_55 : i32
    %rem3A_59 = arith.remsi %add3A_38, %select_n3A_58 : i32
    %ne3A_60 = arith.constant 0 : i32
    %ne3A_61 = arith.cmpi ne, %rem3A_59, %ne3A_60 : i32
    %lt3A = arith.constant 0 : i32
    %lt3A_62 = arith.cmpi slt, %rem3A_59, %lt3A : i32
    %lt3A_63 = arith.constant 0 : i32
    %lt3A_64 = arith.cmpi slt, %select_n3A_58, %lt3A_63 : i32
    %ne3A_65 = arith.xori %lt3A_62, %lt3A_64 : i1
    %and3A_66 = arith.andi %ne3A_65, %ne3A_61 : i1
    %add3A_67 = arith.addi %rem3A_59, %select_n3A_58 : i32
    %select_n3A_68 = arith.select %and3A_66, %add3A_67, %rem3A_59 : i32
    %dma_start3A_69 = arith.constant 0 : i32
    %dma_start3A_70 = arith.constant 0 : i32
    %dma_start3A_71 = arith.constant 0 : i32
    %dma_start3A_72 = tpu.memref_slice %arg6[%dma_start3A_69, %dma_start3A_70, %dma_start3A_71] : memref<3x128x128xf32, #tpu.memory_space<vmem>> -> memref<1x128x128xf32, #tpu.memory_space<vmem>>
    %dma_start3A_73 = tpu.memref_squeeze %dma_start3A_72 : memref<1x128x128xf32, #tpu.memory_space<vmem>> -> memref<128x128xf32, #tpu.memory_space<vmem>>
    %dma_start3A_74 = arith.constant 0 : i32
    %dma_start3A_75 = tpu.memref_slice %arg4[%select_n3A, %select_n3A_68, %dma_start3A_74] : memref<8x1024x128xf32, #tpu.memory_space<hbm>> -> memref<1x128x128xf32, #tpu.memory_space<hbm>>
    %dma_start3A_76 = tpu.memref_squeeze %dma_start3A_75 : memref<1x128x128xf32, #tpu.memory_space<hbm>> -> memref<128x128xf32, #tpu.memory_space<hbm>>
    %dma_start3A_77 = arith.constant 0 : i32
    %dma_start3A_78 = tpu.memref_slice %arg4[%select_n3A, %select_n3A_68, %dma_start3A_77] : memref<8x1024x128xf32, #tpu.memory_space<hbm>> -> memref<1x128x128xf32, #tpu.memory_space<hbm>>
    %dma_start3A_79 = tpu.memref_squeeze %dma_start3A_78 : memref<1x128x128xf32, #tpu.memory_space<hbm>> -> memref<128x128xf32, #tpu.memory_space<hbm>>
    %dma_start3A_80 = arith.constant 0 : i32
    %dma_start3A_81 = arith.constant 0 : i32
    %dma_start3A_82 = tpu.memref_slice %arg6[%dma_start3A_69, %dma_start3A_80, %dma_start3A_81] : memref<3x128x128xf32, #tpu.memory_space<vmem>> -> memref<1x128x128xf32, #tpu.memory_space<vmem>>
    %dma_start3A_83 = tpu.memref_squeeze %dma_start3A_82 : memref<1x128x128xf32, #tpu.memory_space<vmem>> -> memref<128x128xf32, #tpu.memory_space<vmem>>
    tpu.enqueue_dma source(%dma_start3A_83 : memref<128x128xf32, #tpu.memory_space<vmem>>) target(%dma_start3A_79 : memref<128x128xf32, #tpu.memory_space<hbm>>) target_semaphore(%arg10 : memref<!tpu.dma_semaphore, #tpu.memory_space<semaphore_mem>>)
    %dma_wait3A_84 = arith.constant 1 : i32
    %dma_wait3A_85 = arith.constant 1 : i32
    %dma_wait3A_86 = arith.constant 0 : i32
    %dma_wait3A_87 = arith.constant 0 : i32
    %dma_wait3A_88 = tpu.memref_slice %arg6[%dma_wait3A_85, %dma_wait3A_86, %dma_wait3A_87] : memref<3x128x128xf32, #tpu.memory_space<vmem>> -> memref<1x128x128xf32, #tpu.memory_space<vmem>>
    %dma_wait3A_89 = tpu.memref_squeeze %dma_wait3A_88 : memref<1x128x128xf32, #tpu.memory_space<vmem>> -> memref<128x128xf32, #tpu.memory_space<vmem>>
    %dma_wait3A_90 = arith.constant 0 : i32
    %dma_wait3A_91 = tpu.memref_slice %arg5[%dma_wait3A_84, %dma_wait3A_90] : memref<2x128xi32, #tpu.memory_space<vmem>> -> memref<1x128xi32, #tpu.memory_space<vmem>>
    %dma_wait3A_92 = tpu.memref_squeeze %dma_wait3A_91 : memref<1x128xi32, #tpu.memory_space<vmem>> -> memref<128xi32, #tpu.memory_space<vmem>>
    %dma_wait3A_93 = arith.constant 0 : i32
    %dma_wait3A_94 = arith.constant 0 : i32
    %dma_wait3A_95 = tpu.memref_slice %arg2[%dma_wait3A_93, %dma_wait3A_94] : memref<512x128xf32, #tpu.memory_space<hbm>> -> memref<512x128xf32, #tpu.memory_space<hbm>>
    tpu.wait_indirect_dma semaphore(%arg8 : memref<!tpu.dma_semaphore, #tpu.memory_space<semaphore_mem>>) src(%dma_wait3A_95 : memref<512x128xf32, #tpu.memory_space<hbm>>) dst(%dma_wait3A_89 : memref<128x128xf32, #tpu.memory_space<vmem>>)
    %add3A_96 = arith.constant 128 : i32
    %add3A_97 = arith.addi %mul3A_2, %add3A_96 : i32
    %jit3A_98 = arith.constant 1024 : i32
    %div3A_99 = arith.divsi %add3A_97, %jit3A_98 : i32
    %sign3A_100 = arith.constant 0 : i32
    %sign3A_101 = arith.cmpi sgt, %add3A_97, %sign3A_100 : i32
    %sign3A_102 = arith.extui %sign3A_101 : i1 to i32
    %sign3A_103 = arith.constant 0 : i32
    %sign3A_104 = arith.cmpi slt, %add3A_97, %sign3A_103 : i32
    %sign3A_105 = arith.extui %sign3A_104 : i1 to i32
    %sign3A_106 = arith.subi %sign3A_102, %sign3A_105 : i32
    %sign3A_107 = arith.constant 0 : i32
    %sign3A_108 = arith.cmpi sgt, %jit3A_98, %sign3A_107 : i32
    %sign3A_109 = arith.extui %sign3A_108 : i1 to i32
    %sign3A_110 = arith.constant 0 : i32
    %sign3A_111 = arith.cmpi slt, %jit3A_98, %sign3A_110 : i32
    %sign3A_112 = arith.extui %sign3A_111 : i1 to i32
    %sign3A_113 = arith.subi %sign3A_109, %sign3A_112 : i32
    %ne3A_114 = arith.cmpi ne, %sign3A_106, %sign3A_113 : i32
    %rem3A_115 = arith.remsi %add3A_97, %jit3A_98 : i32
    %ne3A_116 = arith.constant 0 : i32
    %ne3A_117 = arith.cmpi ne, %rem3A_115, %ne3A_116 : i32
    %and3A_118 = arith.andi %ne3A_114, %ne3A_117 : i1
    %sub3A_119 = arith.constant 1 : i32
    %sub3A_120 = arith.subi %div3A_99, %sub3A_119 : i32
    %select_n3A_121 = arith.select %and3A_118, %sub3A_120, %div3A_99 : i32
    %jit3A_122 = arith.constant 1024 : i32
    %eq3A_123 = arith.constant 0 : i32
    %eq3A_124 = arith.cmpi eq, %jit3A_122, %eq3A_123 : i32
    %jit3A_125 = arith.constant 1 : i32
    %select_n3A_126 = arith.select %eq3A_124, %jit3A_125, %jit3A_122 : i32
    %rem3A_127 = arith.remsi %add3A_97, %select_n3A_126 : i32
    %ne3A_128 = arith.constant 0 : i32
    %ne3A_129 = arith.cmpi ne, %rem3A_127, %ne3A_128 : i32
    %lt3A_130 = arith.constant 0 : i32
    %lt3A_131 = arith.cmpi slt, %rem3A_127, %lt3A_130 : i32
    %lt3A_132 = arith.constant 0 : i32
    %lt3A_133 = arith.cmpi slt, %select_n3A_126, %lt3A_132 : i32
    %ne3A_134 = arith.xori %lt3A_131, %lt3A_133 : i1
    %and3A_135 = arith.andi %ne3A_134, %ne3A_129 : i1
    %add3A_136 = arith.addi %rem3A_127, %select_n3A_126 : i32
    %select_n3A_137 = arith.select %and3A_135, %add3A_136, %rem3A_127 : i32
    %dma_start3A_138 = arith.constant 1 : i32
    %dma_start3A_139 = arith.constant 0 : i32
    %dma_start3A_140 = arith.constant 0 : i32
    %dma_start3A_141 = tpu.memref_slice %arg6[%dma_start3A_138, %dma_start3A_139, %dma_start3A_140] : memref<3x128x128xf32, #tpu.memory_space<vmem>> -> memref<1x128x128xf32, #tpu.memory_space<vmem>>
    %dma_start3A_142 = tpu.memref_squeeze %dma_start3A_141 : memref<1x128x128xf32, #tpu.memory_space<vmem>> -> memref<128x128xf32, #tpu.memory_space<vmem>>
    %dma_start3A_143 = arith.constant 0 : i32
    %dma_start3A_144 = tpu.memref_slice %arg4[%select_n3A_121, %select_n3A_137, %dma_start3A_143] : memref<8x1024x128xf32, #tpu.memory_space<hbm>> -> memref<1x128x128xf32, #tpu.memory_space<hbm>>
    %dma_start3A_145 = tpu.memref_squeeze %dma_start3A_144 : memref<1x128x128xf32, #tpu.memory_space<hbm>> -> memref<128x128xf32, #tpu.memory_space<hbm>>
    %dma_start3A_146 = arith.constant 0 : i32
    %dma_start3A_147 = tpu.memref_slice %arg4[%select_n3A_121, %select_n3A_137, %dma_start3A_146] : memref<8x1024x128xf32, #tpu.memory_space<hbm>> -> memref<1x128x128xf32, #tpu.memory_space<hbm>>
    %dma_start3A_148 = tpu.memref_squeeze %dma_start3A_147 : memref<1x128x128xf32, #tpu.memory_space<hbm>> -> memref<128x128xf32, #tpu.memory_space<hbm>>
    %dma_start3A_149 = arith.constant 0 : i32
    %dma_start3A_150 = arith.constant 0 : i32
    %dma_start3A_151 = tpu.memref_slice %arg6[%dma_start3A_138, %dma_start3A_149, %dma_start3A_150] : memref<3x128x128xf32, #tpu.memory_space<vmem>> -> memref<1x128x128xf32, #tpu.memory_space<vmem>>
    %dma_start3A_152 = tpu.memref_squeeze %dma_start3A_151 : memref<1x128x128xf32, #tpu.memory_space<vmem>> -> memref<128x128xf32, #tpu.memory_space<vmem>>
    tpu.enqueue_dma source(%dma_start3A_152 : memref<128x128xf32, #tpu.memory_space<vmem>>) target(%dma_start3A_148 : memref<128x128xf32, #tpu.memory_space<hbm>>) target_semaphore(%arg11 : memref<!tpu.dma_semaphore, #tpu.memory_space<semaphore_mem>>)
    %dma_wait3A_153 = arith.constant 0 : i32
    %dma_wait3A_154 = arith.constant 0 : i32
    %dma_wait3A_155 = arith.constant 0 : i32
    %dma_wait3A_156 = tpu.memref_slice %arg6[%dma_wait3A_153, %dma_wait3A_154, %dma_wait3A_155] : memref<3x128x128xf32, #tpu.memory_space<vmem>> -> memref<1x128x128xf32, #tpu.memory_space<vmem>>
    %dma_wait3A_157 = tpu.memref_squeeze %dma_wait3A_156 : memref<1x128x128xf32, #tpu.memory_space<vmem>> -> memref<128x128xf32, #tpu.memory_space<vmem>>
    %dma_wait3A_158 = arith.constant 0 : i32
    %dma_wait3A_159 = tpu.memref_slice %arg4[%select_n3A, %select_n3A_68, %dma_wait3A_158] : memref<8x1024x128xf32, #tpu.memory_space<hbm>> -> memref<1x128x128xf32, #tpu.memory_space<hbm>>
    %dma_wait3A_160 = tpu.memref_squeeze %dma_wait3A_159 : memref<1x128x128xf32, #tpu.memory_space<hbm>> -> memref<128x128xf32, #tpu.memory_space<hbm>>
    %dma_wait3A_161 = arith.constant 0 : i32
    %dma_wait3A_162 = tpu.memref_slice %arg4[%select_n3A, %select_n3A_68, %dma_wait3A_161] : memref<8x1024x128xf32, #tpu.memory_space<hbm>> -> memref<1x128x128xf32, #tpu.memory_space<hbm>>
    %dma_wait3A_163 = tpu.memref_squeeze %dma_wait3A_162 : memref<1x128x128xf32, #tpu.memory_space<hbm>> -> memref<128x128xf32, #tpu.memory_space<hbm>>
    %dma_wait3A_164 = arith.constant 0 : i32
    %dma_wait3A_165 = arith.constant 0 : i32
    %dma_wait3A_166 = tpu.memref_slice %arg6[%dma_wait3A_153, %dma_wait3A_164, %dma_wait3A_165] : memref<3x128x128xf32, #tpu.memory_space<vmem>> -> memref<1x128x128xf32, #tpu.memory_space<vmem>>
    %dma_wait3A_167 = tpu.memref_squeeze %dma_wait3A_166 : memref<1x128x128xf32, #tpu.memory_space<vmem>> -> memref<128x128xf32, #tpu.memory_space<vmem>>
    tpu.wait_dma2 semaphore(%arg10 : memref<!tpu.dma_semaphore, #tpu.memory_space<semaphore_mem>>) src(%dma_wait3A_167 : memref<128x128xf32, #tpu.memory_space<vmem>>) dst(%dma_wait3A_163 : memref<128x128xf32, #tpu.memory_space<hbm>>)
    %dma_wait3A_168 = arith.constant 1 : i32
    %dma_wait3A_169 = arith.constant 0 : i32
    %dma_wait3A_170 = arith.constant 0 : i32
    %dma_wait3A_171 = tpu.memref_slice %arg6[%dma_wait3A_168, %dma_wait3A_169, %dma_wait3A_170] : memref<3x128x128xf32, #tpu.memory_space<vmem>> -> memref<1x128x128xf32, #tpu.memory_space<vmem>>
    %dma_wait3A_172 = tpu.memref_squeeze %dma_wait3A_171 : memref<1x128x128xf32, #tpu.memory_space<vmem>> -> memref<128x128xf32, #tpu.memory_space<vmem>>
    %dma_wait3A_173 = arith.constant 0 : i32
    %dma_wait3A_174 = tpu.memref_slice %arg4[%select_n3A_121, %select_n3A_137, %dma_wait3A_173] : memref<8x1024x128xf32, #tpu.memory_space<hbm>> -> memref<1x128x128xf32, #tpu.memory_space<hbm>>
    %dma_wait3A_175 = tpu.memref_squeeze %dma_wait3A_174 : memref<1x128x128xf32, #tpu.memory_space<hbm>> -> memref<128x128xf32, #tpu.memory_space<hbm>>
    %dma_wait3A_176 = arith.constant 0 : i32
    %dma_wait3A_177 = tpu.memref_slice %arg4[%select_n3A_121, %select_n3A_137, %dma_wait3A_176] : memref<8x1024x128xf32, #tpu.memory_space<hbm>> -> memref<1x128x128xf32, #tpu.memory_space<hbm>>
    %dma_wait3A_178 = tpu.memref_squeeze %dma_wait3A_177 : memref<1x128x128xf32, #tpu.memory_space<hbm>> -> memref<128x128xf32, #tpu.memory_space<hbm>>
    %dma_wait3A_179 = arith.constant 0 : i32
    %dma_wait3A_180 = arith.constant 0 : i32
    %dma_wait3A_181 = tpu.memref_slice %arg6[%dma_wait3A_168, %dma_wait3A_179, %dma_wait3A_180] : memref<3x128x128xf32, #tpu.memory_space<vmem>> -> memref<1x128x128xf32, #tpu.memory_space<vmem>>
    %dma_wait3A_182 = tpu.memref_squeeze %dma_wait3A_181 : memref<1x128x128xf32, #tpu.memory_space<vmem>> -> memref<128x128xf32, #tpu.memory_space<vmem>>
    tpu.wait_dma2 semaphore(%arg11 : memref<!tpu.dma_semaphore, #tpu.memory_space<semaphore_mem>>) src(%dma_wait3A_182 : memref<128x128xf32, #tpu.memory_space<vmem>>) dst(%dma_wait3A_178 : memref<128x128xf32, #tpu.memory_space<hbm>>)
    return
  }
}

module attributes {stable_mosaic.version = 14 : i64} {
  func.func @_tc_body_dec(%arg0: i32, %arg1: memref<2x1024x96xf32, #tpu.memory_space<vmem>>, %arg2: memref<96x32xf32, #tpu.memory_space<vmem>>, %arg3: memref<1x32xf32, #tpu.memory_space<vmem>>, %arg4: memref<512x32xf32, #tpu.memory_space<vmem>>, %arg5: memref<32x96xf32, #tpu.memory_space<vmem>>, %arg6: memref<1x96xf32, #tpu.memory_space<vmem>>, %arg7: memref<1x1x2048xi32, #tpu.memory_space<vmem>>, %arg8: memref<1x1xf32, #tpu.memory_space<vmem>>, %arg9: memref<2x1024x96xf32, #tpu.memory_space<vmem>>, %arg10: memref<512x96xf32, #tpu.memory_space<vmem>>) attributes {dimension_semantics = [#tpu.dimension_semantics<arbitrary>], iteration_bounds = array<i64: 28>, scalar_prefetch = 0 : i64, scratch_operands = 1 : i64, tpu.core_type = #tpu.core_type<tc>, window_params = [{transform_indices = @transform_0, window_bounds = array<i64: 2, 1024, 96>}, {pipeline_mode = #tpu.pipeline_mode<synchronous>, transform_indices = @transform_1, window_bounds = array<i64: 96, 32>}, {pipeline_mode = #tpu.pipeline_mode<synchronous>, transform_indices = @transform_2, window_bounds = array<i64: 1, 32>}, {pipeline_mode = #tpu.pipeline_mode<synchronous>, transform_indices = @transform_3, window_bounds = array<i64: 512, 32>}, {pipeline_mode = #tpu.pipeline_mode<synchronous>, transform_indices = @transform_4, window_bounds = array<i64: 32, 96>}, {pipeline_mode = #tpu.pipeline_mode<synchronous>, transform_indices = @transform_5, window_bounds = array<i64: 1, 96>}, {transform_indices = @transform_6, window_bounds = array<i64: 1, 1, 2048>}, {pipeline_mode = #tpu.pipeline_mode<synchronous>, transform_indices = @transform_7, window_bounds = array<i64: 1, 1>}, {transform_indices = @transform_8, window_bounds = array<i64: 2, 1024, 96>}]} {
    %get3A = arith.constant 0 : index
    %get3A_0 = arith.constant 0 : index
    %get3A_1 = vector.load %arg4[%get3A, %get3A_0] : memref<512x32xf32, #tpu.memory_space<vmem>>, vector<512x32xf32>
    %eq3A = arith.constant 0 : i32
    %eq3A_2 = arith.cmpi eq, %arg0, %eq3A : i32
    %convert_element_type3A = arith.extui %eq3A_2 : i1 to i32
    %cond3A = arith.constant 0 : i32
    %cond3A_3 = arith.cmpi ne, %convert_element_type3A, %cond3A : i32
    scf.if %cond3A_3 {
      %get3A_525 = arith.constant 0 : index
      %get3A_526 = arith.constant 0 : index
      %get3A_527 = vector.load %arg5[%get3A_525, %get3A_526] : memref<32x96xf32, #tpu.memory_space<vmem>>, vector<32x96xf32>
      %dot_general3A_528 = arith.constant dense<0.000000e+00> : vector<512x96xf32>
      %dot_general3A_529 = tpu.matmul %get3A_1, %get3A_527, %dot_general3A_528 {dimension_numbers = #tpu.dot_dimension_numbers<[1], [0], [0], [1], [0, 0, 1, 1], [], []>, transpose_lhs_hint = false} : vector<512x32xf32>, vector<32x96xf32>, vector<512x96xf32> -> vector<512x96xf32>
      %get3A_530 = arith.constant 0 : index
      %get3A_531 = arith.constant 0 : index
      %get3A_532 = vector.load %arg6[%get3A_530, %get3A_531] : memref<1x96xf32, #tpu.memory_space<vmem>>, vector<1x96xf32>
      %add3A_533 = vector.broadcast %get3A_532 : vector<1x96xf32> to vector<512x96xf32>
      %add3A_534 = arith.addf %dot_general3A_529, %add3A_533 : vector<512x96xf32>
      %swap3A_535 = arith.constant 0 : index
      %swap3A_536 = arith.constant 0 : index
      %swap3A_537 = vector.load %arg10[%swap3A_535, %swap3A_536] : memref<512x96xf32, #tpu.memory_space<vmem>>, vector<512x96xf32>
      tpu.vector_store %arg10[%swap3A_535, %swap3A_536], %add3A_534 {strides = array<i32>} : memref<512x96xf32, #tpu.memory_space<vmem>>, vector<512x96xf32>,
    } else {
    }
    %get3A_4 = arith.constant 0 : index
    %get3A_5 = arith.constant 0 : index
    %get3A_6 = arith.constant 0 : index
    %get3A_7 = vector.load %arg1[%get3A_4, %get3A_5, %get3A_6] : memref<2x1024x96xf32, #tpu.memory_space<vmem>>, vector<2x1024x96xf32>
    %reshape3A = vector.shape_cast %get3A_7 : vector<2x1024x96xf32> to vector<2048x96xf32>
    %get3A_8 = arith.constant 0 : index
    %get3A_9 = arith.constant 0 : index
    %get3A_10 = vector.load %arg2[%get3A_8, %get3A_9] : memref<96x32xf32, #tpu.memory_space<vmem>>, vector<96x32xf32>
    %dot_general3A = arith.constant dense<0.000000e+00> : vector<2048x32xf32>
    %dot_general3A_11 = tpu.matmul %reshape3A, %get3A_10, %dot_general3A {dimension_numbers = #tpu.dot_dimension_numbers<[1], [0], [0], [1], [0, 0, 1, 1], [], []>, transpose_lhs_hint = false} : vector<2048x96xf32>, vector<96x32xf32>, vector<2048x32xf32> -> vector<2048x32xf32>
    %get3A_12 = arith.constant 0 : index
    %get3A_13 = arith.constant 0 : index
    %get3A_14 = vector.load %arg3[%get3A_12, %get3A_13] : memref<1x32xf32, #tpu.memory_space<vmem>>, vector<1x32xf32>
    %add3A = vector.broadcast %get3A_14 : vector<1x32xf32> to vector<2048x32xf32>
    %add3A_15 = arith.addf %dot_general3A_11, %add3A : vector<2048x32xf32>
    %transpose3A = tpu.transpose %add3A_15, [1, 0] : vector<2048x32xf32> -> vector<32x2048xf32>
    %mul3A = arith.mulf %get3A_1, %get3A_1 : vector<512x32xf32>
    %reduce_sum3A = arith.constant dense<0.000000e+00> : vector<512xf32>
    %reduce_sum3A_16 = vector.multi_reduction <add>, %mul3A, %reduce_sum3A [1] : vector<512x32xf32> to vector<512xf32>
    %mul3A_17 = arith.constant 2.000000e+00 : f32
    %mul3A_18 = vector.broadcast %mul3A_17 : f32 to vector<512x32xf32>
    %mul3A_19 = arith.mulf %mul3A_18, %get3A_1 : vector<512x32xf32>
    %dot_general3A_20 = arith.constant dense<0.000000e+00> : vector<512x2048xf32>
    %dot_general3A_21 = tpu.matmul %mul3A_19, %transpose3A, %dot_general3A_20 {dimension_numbers = #tpu.dot_dimension_numbers<[1], [0], [0], [1], [0, 0, 1, 1], [], []>, transpose_lhs_hint = false} : vector<512x32xf32>, vector<32x2048xf32>, vector<512x2048xf32> -> vector<512x2048xf32>
    %broadcast_in_dim3A = vector.shape_cast %reduce_sum3A_16 : vector<512xf32> to vector<512x1xf32>
    %sub3A = vector.broadcast %broadcast_in_dim3A : vector<512x1xf32> to vector<512x2048xf32>
    %sub3A_22 = arith.subf %dot_general3A_21, %sub3A : vector<512x2048xf32>
    %reshape3A_23 = vector.shape_cast %sub3A_22 : vector<512x2048xf32> to vector<64x8x2048xf32>
    %slice3A = vector.extract_strided_slice %reshape3A_23 {offsets = [0, 0, 0], sizes = [1, 8, 2048], strides = [1, 1, 1]} : vector<64x8x2048xf32> to vector<1x8x2048xf32>
    %squeeze3A = vector.shape_cast %slice3A : vector<1x8x2048xf32> to vector<8x2048xf32>
    %broadcast_in_dim3A_24 = arith.constant 0 : i32
    %broadcast_in_dim3A_25 = vector.broadcast %broadcast_in_dim3A_24 : i32 to vector<8x2048xi32>
    %slice3A_26 = vector.extract_strided_slice %reshape3A_23 {offsets = [1, 0, 0], sizes = [1, 8, 2048], strides = [1, 1, 1]} : vector<64x8x2048xf32> to vector<1x8x2048xf32>
    %squeeze3A_27 = vector.shape_cast %slice3A_26 : vector<1x8x2048xf32> to vector<8x2048xf32>
    %gt3A = arith.cmpf ogt, %squeeze3A_27, %squeeze3A : vector<8x2048xf32>
    %select_n3A = arith.select %gt3A, %squeeze3A_27, %squeeze3A : vector<8x2048xi1>, vector<8x2048xf32>
    %jit3A = arith.constant 1 : i32
    %broadcast_in_dim3A_28 = vector.broadcast %jit3A : i32 to vector<8x2048xi32>
    %select_n3A_29 = arith.select %gt3A, %broadcast_in_dim3A_28, %broadcast_in_dim3A_25 : vector<8x2048xi1>, vector<8x2048xi32>
    %slice3A_30 = vector.extract_strided_slice %reshape3A_23 {offsets = [2, 0, 0], sizes = [1, 8, 2048], strides = [1, 1, 1]} : vector<64x8x2048xf32> to vector<1x8x2048xf32>
    %squeeze3A_31 = vector.shape_cast %slice3A_30 : vector<1x8x2048xf32> to vector<8x2048xf32>
    %gt3A_32 = arith.cmpf ogt, %squeeze3A_31, %select_n3A : vector<8x2048xf32>
    %select_n3A_33 = arith.select %gt3A_32, %squeeze3A_31, %select_n3A : vector<8x2048xi1>, vector<8x2048xf32>
    %jit3A_34 = arith.constant 2 : i32
    %broadcast_in_dim3A_35 = vector.broadcast %jit3A_34 : i32 to vector<8x2048xi32>
    %select_n3A_36 = arith.select %gt3A_32, %broadcast_in_dim3A_35, %select_n3A_29 : vector<8x2048xi1>, vector<8x2048xi32>
    %slice3A_37 = vector.extract_strided_slice %reshape3A_23 {offsets = [3, 0, 0], sizes = [1, 8, 2048], strides = [1, 1, 1]} : vector<64x8x2048xf32> to vector<1x8x2048xf32>
    %squeeze3A_38 = vector.shape_cast %slice3A_37 : vector<1x8x2048xf32> to vector<8x2048xf32>
    %gt3A_39 = arith.cmpf ogt, %squeeze3A_38, %select_n3A_33 : vector<8x2048xf32>
    %select_n3A_40 = arith.select %gt3A_39, %squeeze3A_38, %select_n3A_33 : vector<8x2048xi1>, vector<8x2048xf32>
    %jit3A_41 = arith.constant 3 : i32
    %broadcast_in_dim3A_42 = vector.broadcast %jit3A_41 : i32 to vector<8x2048xi32>
    %select_n3A_43 = arith.select %gt3A_39, %broadcast_in_dim3A_42, %select_n3A_36 : vector<8x2048xi1>, vector<8x2048xi32>
    %slice3A_44 = vector.extract_strided_slice %reshape3A_23 {offsets = [4, 0, 0], sizes = [1, 8, 2048], strides = [1, 1, 1]} : vector<64x8x2048xf32> to vector<1x8x2048xf32>
    %squeeze3A_45 = vector.shape_cast %slice3A_44 : vector<1x8x2048xf32> to vector<8x2048xf32>
    %gt3A_46 = arith.cmpf ogt, %squeeze3A_45, %select_n3A_40 : vector<8x2048xf32>
    %select_n3A_47 = arith.select %gt3A_46, %squeeze3A_45, %select_n3A_40 : vector<8x2048xi1>, vector<8x2048xf32>
    %jit3A_48 = arith.constant 4 : i32
    %broadcast_in_dim3A_49 = vector.broadcast %jit3A_48 : i32 to vector<8x2048xi32>
    %select_n3A_50 = arith.select %gt3A_46, %broadcast_in_dim3A_49, %select_n3A_43 : vector<8x2048xi1>, vector<8x2048xi32>
    %slice3A_51 = vector.extract_strided_slice %reshape3A_23 {offsets = [5, 0, 0], sizes = [1, 8, 2048], strides = [1, 1, 1]} : vector<64x8x2048xf32> to vector<1x8x2048xf32>
    %squeeze3A_52 = vector.shape_cast %slice3A_51 : vector<1x8x2048xf32> to vector<8x2048xf32>
    %gt3A_53 = arith.cmpf ogt, %squeeze3A_52, %select_n3A_47 : vector<8x2048xf32>
    %select_n3A_54 = arith.select %gt3A_53, %squeeze3A_52, %select_n3A_47 : vector<8x2048xi1>, vector<8x2048xf32>
    %jit3A_55 = arith.constant 5 : i32
    %broadcast_in_dim3A_56 = vector.broadcast %jit3A_55 : i32 to vector<8x2048xi32>
    %select_n3A_57 = arith.select %gt3A_53, %broadcast_in_dim3A_56, %select_n3A_50 : vector<8x2048xi1>, vector<8x2048xi32>
    %slice3A_58 = vector.extract_strided_slice %reshape3A_23 {offsets = [6, 0, 0], sizes = [1, 8, 2048], strides = [1, 1, 1]} : vector<64x8x2048xf32> to vector<1x8x2048xf32>
    %squeeze3A_59 = vector.shape_cast %slice3A_58 : vector<1x8x2048xf32> to vector<8x2048xf32>
    %gt3A_60 = arith.cmpf ogt, %squeeze3A_59, %select_n3A_54 : vector<8x2048xf32>
    %select_n3A_61 = arith.select %gt3A_60, %squeeze3A_59, %select_n3A_54 : vector<8x2048xi1>, vector<8x2048xf32>
    %jit3A_62 = arith.constant 6 : i32
    %broadcast_in_dim3A_63 = vector.broadcast %jit3A_62 : i32 to vector<8x2048xi32>
    %select_n3A_64 = arith.select %gt3A_60, %broadcast_in_dim3A_63, %select_n3A_57 : vector<8x2048xi1>, vector<8x2048xi32>
    %slice3A_65 = vector.extract_strided_slice %reshape3A_23 {offsets = [7, 0, 0], sizes = [1, 8, 2048], strides = [1, 1, 1]} : vector<64x8x2048xf32> to vector<1x8x2048xf32>
    %squeeze3A_66 = vector.shape_cast %slice3A_65 : vector<1x8x2048xf32> to vector<8x2048xf32>
    %gt3A_67 = arith.cmpf ogt, %squeeze3A_66, %select_n3A_61 : vector<8x2048xf32>
    %select_n3A_68 = arith.select %gt3A_67, %squeeze3A_66, %select_n3A_61 : vector<8x2048xi1>, vector<8x2048xf32>
    %jit3A_69 = arith.constant 7 : i32
    %broadcast_in_dim3A_70 = vector.broadcast %jit3A_69 : i32 to vector<8x2048xi32>
    %select_n3A_71 = arith.select %gt3A_67, %broadcast_in_dim3A_70, %select_n3A_64 : vector<8x2048xi1>, vector<8x2048xi32>
    %slice3A_72 = vector.extract_strided_slice %reshape3A_23 {offsets = [8, 0, 0], sizes = [1, 8, 2048], strides = [1, 1, 1]} : vector<64x8x2048xf32> to vector<1x8x2048xf32>
    %squeeze3A_73 = vector.shape_cast %slice3A_72 : vector<1x8x2048xf32> to vector<8x2048xf32>
    %gt3A_74 = arith.cmpf ogt, %squeeze3A_73, %select_n3A_68 : vector<8x2048xf32>
    %select_n3A_75 = arith.select %gt3A_74, %squeeze3A_73, %select_n3A_68 : vector<8x2048xi1>, vector<8x2048xf32>
    %jit3A_76 = arith.constant 8 : i32
    %broadcast_in_dim3A_77 = vector.broadcast %jit3A_76 : i32 to vector<8x2048xi32>
    %select_n3A_78 = arith.select %gt3A_74, %broadcast_in_dim3A_77, %select_n3A_71 : vector<8x2048xi1>, vector<8x2048xi32>
    %slice3A_79 = vector.extract_strided_slice %reshape3A_23 {offsets = [9, 0, 0], sizes = [1, 8, 2048], strides = [1, 1, 1]} : vector<64x8x2048xf32> to vector<1x8x2048xf32>
    %squeeze3A_80 = vector.shape_cast %slice3A_79 : vector<1x8x2048xf32> to vector<8x2048xf32>
    %gt3A_81 = arith.cmpf ogt, %squeeze3A_80, %select_n3A_75 : vector<8x2048xf32>
    %select_n3A_82 = arith.select %gt3A_81, %squeeze3A_80, %select_n3A_75 : vector<8x2048xi1>, vector<8x2048xf32>
    %jit3A_83 = arith.constant 9 : i32
    %broadcast_in_dim3A_84 = vector.broadcast %jit3A_83 : i32 to vector<8x2048xi32>
    %select_n3A_85 = arith.select %gt3A_81, %broadcast_in_dim3A_84, %select_n3A_78 : vector<8x2048xi1>, vector<8x2048xi32>
    %slice3A_86 = vector.extract_strided_slice %reshape3A_23 {offsets = [10, 0, 0], sizes = [1, 8, 2048], strides = [1, 1, 1]} : vector<64x8x2048xf32> to vector<1x8x2048xf32>
    %squeeze3A_87 = vector.shape_cast %slice3A_86 : vector<1x8x2048xf32> to vector<8x2048xf32>
    %gt3A_88 = arith.cmpf ogt, %squeeze3A_87, %select_n3A_82 : vector<8x2048xf32>
    %select_n3A_89 = arith.select %gt3A_88, %squeeze3A_87, %select_n3A_82 : vector<8x2048xi1>, vector<8x2048xf32>
    %jit3A_90 = arith.constant 10 : i32
    %broadcast_in_dim3A_91 = vector.broadcast %jit3A_90 : i32 to vector<8x2048xi32>
    %select_n3A_92 = arith.select %gt3A_88, %broadcast_in_dim3A_91, %select_n3A_85 : vector<8x2048xi1>, vector<8x2048xi32>
    %slice3A_93 = vector.extract_strided_slice %reshape3A_23 {offsets = [11, 0, 0], sizes = [1, 8, 2048], strides = [1, 1, 1]} : vector<64x8x2048xf32> to vector<1x8x2048xf32>
    %squeeze3A_94 = vector.shape_cast %slice3A_93 : vector<1x8x2048xf32> to vector<8x2048xf32>
    %gt3A_95 = arith.cmpf ogt, %squeeze3A_94, %select_n3A_89 : vector<8x2048xf32>
    %select_n3A_96 = arith.select %gt3A_95, %squeeze3A_94, %select_n3A_89 : vector<8x2048xi1>, vector<8x2048xf32>
    %jit3A_97 = arith.constant 11 : i32
    %broadcast_in_dim3A_98 = vector.broadcast %jit3A_97 : i32 to vector<8x2048xi32>
    %select_n3A_99 = arith.select %gt3A_95, %broadcast_in_dim3A_98, %select_n3A_92 : vector<8x2048xi1>, vector<8x2048xi32>
    %slice3A_100 = vector.extract_strided_slice %reshape3A_23 {offsets = [12, 0, 0], sizes = [1, 8, 2048], strides = [1, 1, 1]} : vector<64x8x2048xf32> to vector<1x8x2048xf32>
    %squeeze3A_101 = vector.shape_cast %slice3A_100 : vector<1x8x2048xf32> to vector<8x2048xf32>
    %gt3A_102 = arith.cmpf ogt, %squeeze3A_101, %select_n3A_96 : vector<8x2048xf32>
    %select_n3A_103 = arith.select %gt3A_102, %squeeze3A_101, %select_n3A_96 : vector<8x2048xi1>, vector<8x2048xf32>
    %jit3A_104 = arith.constant 12 : i32
    %broadcast_in_dim3A_105 = vector.broadcast %jit3A_104 : i32 to vector<8x2048xi32>
    %select_n3A_106 = arith.select %gt3A_102, %broadcast_in_dim3A_105, %select_n3A_99 : vector<8x2048xi1>, vector<8x2048xi32>
    %slice3A_107 = vector.extract_strided_slice %reshape3A_23 {offsets = [13, 0, 0], sizes = [1, 8, 2048], strides = [1, 1, 1]} : vector<64x8x2048xf32> to vector<1x8x2048xf32>
    %squeeze3A_108 = vector.shape_cast %slice3A_107 : vector<1x8x2048xf32> to vector<8x2048xf32>
    %gt3A_109 = arith.cmpf ogt, %squeeze3A_108, %select_n3A_103 : vector<8x2048xf32>
    %select_n3A_110 = arith.select %gt3A_109, %squeeze3A_108, %select_n3A_103 : vector<8x2048xi1>, vector<8x2048xf32>
    %jit3A_111 = arith.constant 13 : i32
    %broadcast_in_dim3A_112 = vector.broadcast %jit3A_111 : i32 to vector<8x2048xi32>
    %select_n3A_113 = arith.select %gt3A_109, %broadcast_in_dim3A_112, %select_n3A_106 : vector<8x2048xi1>, vector<8x2048xi32>
    %slice3A_114 = vector.extract_strided_slice %reshape3A_23 {offsets = [14, 0, 0], sizes = [1, 8, 2048], strides = [1, 1, 1]} : vector<64x8x2048xf32> to vector<1x8x2048xf32>
    %squeeze3A_115 = vector.shape_cast %slice3A_114 : vector<1x8x2048xf32> to vector<8x2048xf32>
    %gt3A_116 = arith.cmpf ogt, %squeeze3A_115, %select_n3A_110 : vector<8x2048xf32>
    %select_n3A_117 = arith.select %gt3A_116, %squeeze3A_115, %select_n3A_110 : vector<8x2048xi1>, vector<8x2048xf32>
    %jit3A_118 = arith.constant 14 : i32
    %broadcast_in_dim3A_119 = vector.broadcast %jit3A_118 : i32 to vector<8x2048xi32>
    %select_n3A_120 = arith.select %gt3A_116, %broadcast_in_dim3A_119, %select_n3A_113 : vector<8x2048xi1>, vector<8x2048xi32>
    %slice3A_121 = vector.extract_strided_slice %reshape3A_23 {offsets = [15, 0, 0], sizes = [1, 8, 2048], strides = [1, 1, 1]} : vector<64x8x2048xf32> to vector<1x8x2048xf32>
    %squeeze3A_122 = vector.shape_cast %slice3A_121 : vector<1x8x2048xf32> to vector<8x2048xf32>
    %gt3A_123 = arith.cmpf ogt, %squeeze3A_122, %select_n3A_117 : vector<8x2048xf32>
    %select_n3A_124 = arith.select %gt3A_123, %squeeze3A_122, %select_n3A_117 : vector<8x2048xi1>, vector<8x2048xf32>
    %jit3A_125 = arith.constant 15 : i32
    %broadcast_in_dim3A_126 = vector.broadcast %jit3A_125 : i32 to vector<8x2048xi32>
    %select_n3A_127 = arith.select %gt3A_123, %broadcast_in_dim3A_126, %select_n3A_120 : vector<8x2048xi1>, vector<8x2048xi32>
    %slice3A_128 = vector.extract_strided_slice %reshape3A_23 {offsets = [16, 0, 0], sizes = [1, 8, 2048], strides = [1, 1, 1]} : vector<64x8x2048xf32> to vector<1x8x2048xf32>
    %squeeze3A_129 = vector.shape_cast %slice3A_128 : vector<1x8x2048xf32> to vector<8x2048xf32>
    %gt3A_130 = arith.cmpf ogt, %squeeze3A_129, %select_n3A_124 : vector<8x2048xf32>
    %select_n3A_131 = arith.select %gt3A_130, %squeeze3A_129, %select_n3A_124 : vector<8x2048xi1>, vector<8x2048xf32>
    %jit3A_132 = arith.constant 16 : i32
    %broadcast_in_dim3A_133 = vector.broadcast %jit3A_132 : i32 to vector<8x2048xi32>
    %select_n3A_134 = arith.select %gt3A_130, %broadcast_in_dim3A_133, %select_n3A_127 : vector<8x2048xi1>, vector<8x2048xi32>
    %slice3A_135 = vector.extract_strided_slice %reshape3A_23 {offsets = [17, 0, 0], sizes = [1, 8, 2048], strides = [1, 1, 1]} : vector<64x8x2048xf32> to vector<1x8x2048xf32>
    %squeeze3A_136 = vector.shape_cast %slice3A_135 : vector<1x8x2048xf32> to vector<8x2048xf32>
    %gt3A_137 = arith.cmpf ogt, %squeeze3A_136, %select_n3A_131 : vector<8x2048xf32>
    %select_n3A_138 = arith.select %gt3A_137, %squeeze3A_136, %select_n3A_131 : vector<8x2048xi1>, vector<8x2048xf32>
    %jit3A_139 = arith.constant 17 : i32
    %broadcast_in_dim3A_140 = vector.broadcast %jit3A_139 : i32 to vector<8x2048xi32>
    %select_n3A_141 = arith.select %gt3A_137, %broadcast_in_dim3A_140, %select_n3A_134 : vector<8x2048xi1>, vector<8x2048xi32>
    %slice3A_142 = vector.extract_strided_slice %reshape3A_23 {offsets = [18, 0, 0], sizes = [1, 8, 2048], strides = [1, 1, 1]} : vector<64x8x2048xf32> to vector<1x8x2048xf32>
    %squeeze3A_143 = vector.shape_cast %slice3A_142 : vector<1x8x2048xf32> to vector<8x2048xf32>
    %gt3A_144 = arith.cmpf ogt, %squeeze3A_143, %select_n3A_138 : vector<8x2048xf32>
    %select_n3A_145 = arith.select %gt3A_144, %squeeze3A_143, %select_n3A_138 : vector<8x2048xi1>, vector<8x2048xf32>
    %jit3A_146 = arith.constant 18 : i32
    %broadcast_in_dim3A_147 = vector.broadcast %jit3A_146 : i32 to vector<8x2048xi32>
    %select_n3A_148 = arith.select %gt3A_144, %broadcast_in_dim3A_147, %select_n3A_141 : vector<8x2048xi1>, vector<8x2048xi32>
    %slice3A_149 = vector.extract_strided_slice %reshape3A_23 {offsets = [19, 0, 0], sizes = [1, 8, 2048], strides = [1, 1, 1]} : vector<64x8x2048xf32> to vector<1x8x2048xf32>
    %squeeze3A_150 = vector.shape_cast %slice3A_149 : vector<1x8x2048xf32> to vector<8x2048xf32>
    %gt3A_151 = arith.cmpf ogt, %squeeze3A_150, %select_n3A_145 : vector<8x2048xf32>
    %select_n3A_152 = arith.select %gt3A_151, %squeeze3A_150, %select_n3A_145 : vector<8x2048xi1>, vector<8x2048xf32>
    %jit3A_153 = arith.constant 19 : i32
    %broadcast_in_dim3A_154 = vector.broadcast %jit3A_153 : i32 to vector<8x2048xi32>
    %select_n3A_155 = arith.select %gt3A_151, %broadcast_in_dim3A_154, %select_n3A_148 : vector<8x2048xi1>, vector<8x2048xi32>
    %slice3A_156 = vector.extract_strided_slice %reshape3A_23 {offsets = [20, 0, 0], sizes = [1, 8, 2048], strides = [1, 1, 1]} : vector<64x8x2048xf32> to vector<1x8x2048xf32>
    %squeeze3A_157 = vector.shape_cast %slice3A_156 : vector<1x8x2048xf32> to vector<8x2048xf32>
    %gt3A_158 = arith.cmpf ogt, %squeeze3A_157, %select_n3A_152 : vector<8x2048xf32>
    %select_n3A_159 = arith.select %gt3A_158, %squeeze3A_157, %select_n3A_152 : vector<8x2048xi1>, vector<8x2048xf32>
    %jit3A_160 = arith.constant 20 : i32
    %broadcast_in_dim3A_161 = vector.broadcast %jit3A_160 : i32 to vector<8x2048xi32>
    %select_n3A_162 = arith.select %gt3A_158, %broadcast_in_dim3A_161, %select_n3A_155 : vector<8x2048xi1>, vector<8x2048xi32>
    %slice3A_163 = vector.extract_strided_slice %reshape3A_23 {offsets = [21, 0, 0], sizes = [1, 8, 2048], strides = [1, 1, 1]} : vector<64x8x2048xf32> to vector<1x8x2048xf32>
    %squeeze3A_164 = vector.shape_cast %slice3A_163 : vector<1x8x2048xf32> to vector<8x2048xf32>
    %gt3A_165 = arith.cmpf ogt, %squeeze3A_164, %select_n3A_159 : vector<8x2048xf32>
    %select_n3A_166 = arith.select %gt3A_165, %squeeze3A_164, %select_n3A_159 : vector<8x2048xi1>, vector<8x2048xf32>
    %jit3A_167 = arith.constant 21 : i32
    %broadcast_in_dim3A_168 = vector.broadcast %jit3A_167 : i32 to vector<8x2048xi32>
    %select_n3A_169 = arith.select %gt3A_165, %broadcast_in_dim3A_168, %select_n3A_162 : vector<8x2048xi1>, vector<8x2048xi32>
    %slice3A_170 = vector.extract_strided_slice %reshape3A_23 {offsets = [22, 0, 0], sizes = [1, 8, 2048], strides = [1, 1, 1]} : vector<64x8x2048xf32> to vector<1x8x2048xf32>
    %squeeze3A_171 = vector.shape_cast %slice3A_170 : vector<1x8x2048xf32> to vector<8x2048xf32>
    %gt3A_172 = arith.cmpf ogt, %squeeze3A_171, %select_n3A_166 : vector<8x2048xf32>
    %select_n3A_173 = arith.select %gt3A_172, %squeeze3A_171, %select_n3A_166 : vector<8x2048xi1>, vector<8x2048xf32>
    %jit3A_174 = arith.constant 22 : i32
    %broadcast_in_dim3A_175 = vector.broadcast %jit3A_174 : i32 to vector<8x2048xi32>
    %select_n3A_176 = arith.select %gt3A_172, %broadcast_in_dim3A_175, %select_n3A_169 : vector<8x2048xi1>, vector<8x2048xi32>
    %slice3A_177 = vector.extract_strided_slice %reshape3A_23 {offsets = [23, 0, 0], sizes = [1, 8, 2048], strides = [1, 1, 1]} : vector<64x8x2048xf32> to vector<1x8x2048xf32>
    %squeeze3A_178 = vector.shape_cast %slice3A_177 : vector<1x8x2048xf32> to vector<8x2048xf32>
    %gt3A_179 = arith.cmpf ogt, %squeeze3A_178, %select_n3A_173 : vector<8x2048xf32>
    %select_n3A_180 = arith.select %gt3A_179, %squeeze3A_178, %select_n3A_173 : vector<8x2048xi1>, vector<8x2048xf32>
    %jit3A_181 = arith.constant 23 : i32
    %broadcast_in_dim3A_182 = vector.broadcast %jit3A_181 : i32 to vector<8x2048xi32>
    %select_n3A_183 = arith.select %gt3A_179, %broadcast_in_dim3A_182, %select_n3A_176 : vector<8x2048xi1>, vector<8x2048xi32>
    %slice3A_184 = vector.extract_strided_slice %reshape3A_23 {offsets = [24, 0, 0], sizes = [1, 8, 2048], strides = [1, 1, 1]} : vector<64x8x2048xf32> to vector<1x8x2048xf32>
    %squeeze3A_185 = vector.shape_cast %slice3A_184 : vector<1x8x2048xf32> to vector<8x2048xf32>
    %gt3A_186 = arith.cmpf ogt, %squeeze3A_185, %select_n3A_180 : vector<8x2048xf32>
    %select_n3A_187 = arith.select %gt3A_186, %squeeze3A_185, %select_n3A_180 : vector<8x2048xi1>, vector<8x2048xf32>
    %jit3A_188 = arith.constant 24 : i32
    %broadcast_in_dim3A_189 = vector.broadcast %jit3A_188 : i32 to vector<8x2048xi32>
    %select_n3A_190 = arith.select %gt3A_186, %broadcast_in_dim3A_189, %select_n3A_183 : vector<8x2048xi1>, vector<8x2048xi32>
    %slice3A_191 = vector.extract_strided_slice %reshape3A_23 {offsets = [25, 0, 0], sizes = [1, 8, 2048], strides = [1, 1, 1]} : vector<64x8x2048xf32> to vector<1x8x2048xf32>
    %squeeze3A_192 = vector.shape_cast %slice3A_191 : vector<1x8x2048xf32> to vector<8x2048xf32>
    %gt3A_193 = arith.cmpf ogt, %squeeze3A_192, %select_n3A_187 : vector<8x2048xf32>
    %select_n3A_194 = arith.select %gt3A_193, %squeeze3A_192, %select_n3A_187 : vector<8x2048xi1>, vector<8x2048xf32>
    %jit3A_195 = arith.constant 25 : i32
    %broadcast_in_dim3A_196 = vector.broadcast %jit3A_195 : i32 to vector<8x2048xi32>
    %select_n3A_197 = arith.select %gt3A_193, %broadcast_in_dim3A_196, %select_n3A_190 : vector<8x2048xi1>, vector<8x2048xi32>
    %slice3A_198 = vector.extract_strided_slice %reshape3A_23 {offsets = [26, 0, 0], sizes = [1, 8, 2048], strides = [1, 1, 1]} : vector<64x8x2048xf32> to vector<1x8x2048xf32>
    %squeeze3A_199 = vector.shape_cast %slice3A_198 : vector<1x8x2048xf32> to vector<8x2048xf32>
    %gt3A_200 = arith.cmpf ogt, %squeeze3A_199, %select_n3A_194 : vector<8x2048xf32>
    %select_n3A_201 = arith.select %gt3A_200, %squeeze3A_199, %select_n3A_194 : vector<8x2048xi1>, vector<8x2048xf32>
    %jit3A_202 = arith.constant 26 : i32
    %broadcast_in_dim3A_203 = vector.broadcast %jit3A_202 : i32 to vector<8x2048xi32>
    %select_n3A_204 = arith.select %gt3A_200, %broadcast_in_dim3A_203, %select_n3A_197 : vector<8x2048xi1>, vector<8x2048xi32>
    %slice3A_205 = vector.extract_strided_slice %reshape3A_23 {offsets = [27, 0, 0], sizes = [1, 8, 2048], strides = [1, 1, 1]} : vector<64x8x2048xf32> to vector<1x8x2048xf32>
    %squeeze3A_206 = vector.shape_cast %slice3A_205 : vector<1x8x2048xf32> to vector<8x2048xf32>
    %gt3A_207 = arith.cmpf ogt, %squeeze3A_206, %select_n3A_201 : vector<8x2048xf32>
    %select_n3A_208 = arith.select %gt3A_207, %squeeze3A_206, %select_n3A_201 : vector<8x2048xi1>, vector<8x2048xf32>
    %jit3A_209 = arith.constant 27 : i32
    %broadcast_in_dim3A_210 = vector.broadcast %jit3A_209 : i32 to vector<8x2048xi32>
    %select_n3A_211 = arith.select %gt3A_207, %broadcast_in_dim3A_210, %select_n3A_204 : vector<8x2048xi1>, vector<8x2048xi32>
    %slice3A_212 = vector.extract_strided_slice %reshape3A_23 {offsets = [28, 0, 0], sizes = [1, 8, 2048], strides = [1, 1, 1]} : vector<64x8x2048xf32> to vector<1x8x2048xf32>
    %squeeze3A_213 = vector.shape_cast %slice3A_212 : vector<1x8x2048xf32> to vector<8x2048xf32>
    %gt3A_214 = arith.cmpf ogt, %squeeze3A_213, %select_n3A_208 : vector<8x2048xf32>
    %select_n3A_215 = arith.select %gt3A_214, %squeeze3A_213, %select_n3A_208 : vector<8x2048xi1>, vector<8x2048xf32>
    %jit3A_216 = arith.constant 28 : i32
    %broadcast_in_dim3A_217 = vector.broadcast %jit3A_216 : i32 to vector<8x2048xi32>
    %select_n3A_218 = arith.select %gt3A_214, %broadcast_in_dim3A_217, %select_n3A_211 : vector<8x2048xi1>, vector<8x2048xi32>
    %slice3A_219 = vector.extract_strided_slice %reshape3A_23 {offsets = [29, 0, 0], sizes = [1, 8, 2048], strides = [1, 1, 1]} : vector<64x8x2048xf32> to vector<1x8x2048xf32>
    %squeeze3A_220 = vector.shape_cast %slice3A_219 : vector<1x8x2048xf32> to vector<8x2048xf32>
    %gt3A_221 = arith.cmpf ogt, %squeeze3A_220, %select_n3A_215 : vector<8x2048xf32>
    %select_n3A_222 = arith.select %gt3A_221, %squeeze3A_220, %select_n3A_215 : vector<8x2048xi1>, vector<8x2048xf32>
    %jit3A_223 = arith.constant 29 : i32
    %broadcast_in_dim3A_224 = vector.broadcast %jit3A_223 : i32 to vector<8x2048xi32>
    %select_n3A_225 = arith.select %gt3A_221, %broadcast_in_dim3A_224, %select_n3A_218 : vector<8x2048xi1>, vector<8x2048xi32>
    %slice3A_226 = vector.extract_strided_slice %reshape3A_23 {offsets = [30, 0, 0], sizes = [1, 8, 2048], strides = [1, 1, 1]} : vector<64x8x2048xf32> to vector<1x8x2048xf32>
    %squeeze3A_227 = vector.shape_cast %slice3A_226 : vector<1x8x2048xf32> to vector<8x2048xf32>
    %gt3A_228 = arith.cmpf ogt, %squeeze3A_227, %select_n3A_222 : vector<8x2048xf32>
    %select_n3A_229 = arith.select %gt3A_228, %squeeze3A_227, %select_n3A_222 : vector<8x2048xi1>, vector<8x2048xf32>
    %jit3A_230 = arith.constant 30 : i32
    %broadcast_in_dim3A_231 = vector.broadcast %jit3A_230 : i32 to vector<8x2048xi32>
    %select_n3A_232 = arith.select %gt3A_228, %broadcast_in_dim3A_231, %select_n3A_225 : vector<8x2048xi1>, vector<8x2048xi32>
    %slice3A_233 = vector.extract_strided_slice %reshape3A_23 {offsets = [31, 0, 0], sizes = [1, 8, 2048], strides = [1, 1, 1]} : vector<64x8x2048xf32> to vector<1x8x2048xf32>
    %squeeze3A_234 = vector.shape_cast %slice3A_233 : vector<1x8x2048xf32> to vector<8x2048xf32>
    %gt3A_235 = arith.cmpf ogt, %squeeze3A_234, %select_n3A_229 : vector<8x2048xf32>
    %select_n3A_236 = arith.select %gt3A_235, %squeeze3A_234, %select_n3A_229 : vector<8x2048xi1>, vector<8x2048xf32>
    %jit3A_237 = arith.constant 31 : i32
    %broadcast_in_dim3A_238 = vector.broadcast %jit3A_237 : i32 to vector<8x2048xi32>
    %select_n3A_239 = arith.select %gt3A_235, %broadcast_in_dim3A_238, %select_n3A_232 : vector<8x2048xi1>, vector<8x2048xi32>
    %slice3A_240 = vector.extract_strided_slice %reshape3A_23 {offsets = [32, 0, 0], sizes = [1, 8, 2048], strides = [1, 1, 1]} : vector<64x8x2048xf32> to vector<1x8x2048xf32>
    %squeeze3A_241 = vector.shape_cast %slice3A_240 : vector<1x8x2048xf32> to vector<8x2048xf32>
    %gt3A_242 = arith.cmpf ogt, %squeeze3A_241, %select_n3A_236 : vector<8x2048xf32>
    %select_n3A_243 = arith.select %gt3A_242, %squeeze3A_241, %select_n3A_236 : vector<8x2048xi1>, vector<8x2048xf32>
    %jit3A_244 = arith.constant 32 : i32
    %broadcast_in_dim3A_245 = vector.broadcast %jit3A_244 : i32 to vector<8x2048xi32>
    %select_n3A_246 = arith.select %gt3A_242, %broadcast_in_dim3A_245, %select_n3A_239 : vector<8x2048xi1>, vector<8x2048xi32>
    %slice3A_247 = vector.extract_strided_slice %reshape3A_23 {offsets = [33, 0, 0], sizes = [1, 8, 2048], strides = [1, 1, 1]} : vector<64x8x2048xf32> to vector<1x8x2048xf32>
    %squeeze3A_248 = vector.shape_cast %slice3A_247 : vector<1x8x2048xf32> to vector<8x2048xf32>
    %gt3A_249 = arith.cmpf ogt, %squeeze3A_248, %select_n3A_243 : vector<8x2048xf32>
    %select_n3A_250 = arith.select %gt3A_249, %squeeze3A_248, %select_n3A_243 : vector<8x2048xi1>, vector<8x2048xf32>
    %jit3A_251 = arith.constant 33 : i32
    %broadcast_in_dim3A_252 = vector.broadcast %jit3A_251 : i32 to vector<8x2048xi32>
    %select_n3A_253 = arith.select %gt3A_249, %broadcast_in_dim3A_252, %select_n3A_246 : vector<8x2048xi1>, vector<8x2048xi32>
    %slice3A_254 = vector.extract_strided_slice %reshape3A_23 {offsets = [34, 0, 0], sizes = [1, 8, 2048], strides = [1, 1, 1]} : vector<64x8x2048xf32> to vector<1x8x2048xf32>
    %squeeze3A_255 = vector.shape_cast %slice3A_254 : vector<1x8x2048xf32> to vector<8x2048xf32>
    %gt3A_256 = arith.cmpf ogt, %squeeze3A_255, %select_n3A_250 : vector<8x2048xf32>
    %select_n3A_257 = arith.select %gt3A_256, %squeeze3A_255, %select_n3A_250 : vector<8x2048xi1>, vector<8x2048xf32>
    %jit3A_258 = arith.constant 34 : i32
    %broadcast_in_dim3A_259 = vector.broadcast %jit3A_258 : i32 to vector<8x2048xi32>
    %select_n3A_260 = arith.select %gt3A_256, %broadcast_in_dim3A_259, %select_n3A_253 : vector<8x2048xi1>, vector<8x2048xi32>
    %slice3A_261 = vector.extract_strided_slice %reshape3A_23 {offsets = [35, 0, 0], sizes = [1, 8, 2048], strides = [1, 1, 1]} : vector<64x8x2048xf32> to vector<1x8x2048xf32>
    %squeeze3A_262 = vector.shape_cast %slice3A_261 : vector<1x8x2048xf32> to vector<8x2048xf32>
    %gt3A_263 = arith.cmpf ogt, %squeeze3A_262, %select_n3A_257 : vector<8x2048xf32>
    %select_n3A_264 = arith.select %gt3A_263, %squeeze3A_262, %select_n3A_257 : vector<8x2048xi1>, vector<8x2048xf32>
    %jit3A_265 = arith.constant 35 : i32
    %broadcast_in_dim3A_266 = vector.broadcast %jit3A_265 : i32 to vector<8x2048xi32>
    %select_n3A_267 = arith.select %gt3A_263, %broadcast_in_dim3A_266, %select_n3A_260 : vector<8x2048xi1>, vector<8x2048xi32>
    %slice3A_268 = vector.extract_strided_slice %reshape3A_23 {offsets = [36, 0, 0], sizes = [1, 8, 2048], strides = [1, 1, 1]} : vector<64x8x2048xf32> to vector<1x8x2048xf32>
    %squeeze3A_269 = vector.shape_cast %slice3A_268 : vector<1x8x2048xf32> to vector<8x2048xf32>
    %gt3A_270 = arith.cmpf ogt, %squeeze3A_269, %select_n3A_264 : vector<8x2048xf32>
    %select_n3A_271 = arith.select %gt3A_270, %squeeze3A_269, %select_n3A_264 : vector<8x2048xi1>, vector<8x2048xf32>
    %jit3A_272 = arith.constant 36 : i32
    %broadcast_in_dim3A_273 = vector.broadcast %jit3A_272 : i32 to vector<8x2048xi32>
    %select_n3A_274 = arith.select %gt3A_270, %broadcast_in_dim3A_273, %select_n3A_267 : vector<8x2048xi1>, vector<8x2048xi32>
    %slice3A_275 = vector.extract_strided_slice %reshape3A_23 {offsets = [37, 0, 0], sizes = [1, 8, 2048], strides = [1, 1, 1]} : vector<64x8x2048xf32> to vector<1x8x2048xf32>
    %squeeze3A_276 = vector.shape_cast %slice3A_275 : vector<1x8x2048xf32> to vector<8x2048xf32>
    %gt3A_277 = arith.cmpf ogt, %squeeze3A_276, %select_n3A_271 : vector<8x2048xf32>
    %select_n3A_278 = arith.select %gt3A_277, %squeeze3A_276, %select_n3A_271 : vector<8x2048xi1>, vector<8x2048xf32>
    %jit3A_279 = arith.constant 37 : i32
    %broadcast_in_dim3A_280 = vector.broadcast %jit3A_279 : i32 to vector<8x2048xi32>
    %select_n3A_281 = arith.select %gt3A_277, %broadcast_in_dim3A_280, %select_n3A_274 : vector<8x2048xi1>, vector<8x2048xi32>
    %slice3A_282 = vector.extract_strided_slice %reshape3A_23 {offsets = [38, 0, 0], sizes = [1, 8, 2048], strides = [1, 1, 1]} : vector<64x8x2048xf32> to vector<1x8x2048xf32>
    %squeeze3A_283 = vector.shape_cast %slice3A_282 : vector<1x8x2048xf32> to vector<8x2048xf32>
    %gt3A_284 = arith.cmpf ogt, %squeeze3A_283, %select_n3A_278 : vector<8x2048xf32>
    %select_n3A_285 = arith.select %gt3A_284, %squeeze3A_283, %select_n3A_278 : vector<8x2048xi1>, vector<8x2048xf32>
    %jit3A_286 = arith.constant 38 : i32
    %broadcast_in_dim3A_287 = vector.broadcast %jit3A_286 : i32 to vector<8x2048xi32>
    %select_n3A_288 = arith.select %gt3A_284, %broadcast_in_dim3A_287, %select_n3A_281 : vector<8x2048xi1>, vector<8x2048xi32>
    %slice3A_289 = vector.extract_strided_slice %reshape3A_23 {offsets = [39, 0, 0], sizes = [1, 8, 2048], strides = [1, 1, 1]} : vector<64x8x2048xf32> to vector<1x8x2048xf32>
    %squeeze3A_290 = vector.shape_cast %slice3A_289 : vector<1x8x2048xf32> to vector<8x2048xf32>
    %gt3A_291 = arith.cmpf ogt, %squeeze3A_290, %select_n3A_285 : vector<8x2048xf32>
    %select_n3A_292 = arith.select %gt3A_291, %squeeze3A_290, %select_n3A_285 : vector<8x2048xi1>, vector<8x2048xf32>
    %jit3A_293 = arith.constant 39 : i32
    %broadcast_in_dim3A_294 = vector.broadcast %jit3A_293 : i32 to vector<8x2048xi32>
    %select_n3A_295 = arith.select %gt3A_291, %broadcast_in_dim3A_294, %select_n3A_288 : vector<8x2048xi1>, vector<8x2048xi32>
    %slice3A_296 = vector.extract_strided_slice %reshape3A_23 {offsets = [40, 0, 0], sizes = [1, 8, 2048], strides = [1, 1, 1]} : vector<64x8x2048xf32> to vector<1x8x2048xf32>
    %squeeze3A_297 = vector.shape_cast %slice3A_296 : vector<1x8x2048xf32> to vector<8x2048xf32>
    %gt3A_298 = arith.cmpf ogt, %squeeze3A_297, %select_n3A_292 : vector<8x2048xf32>
    %select_n3A_299 = arith.select %gt3A_298, %squeeze3A_297, %select_n3A_292 : vector<8x2048xi1>, vector<8x2048xf32>
    %jit3A_300 = arith.constant 40 : i32
    %broadcast_in_dim3A_301 = vector.broadcast %jit3A_300 : i32 to vector<8x2048xi32>
    %select_n3A_302 = arith.select %gt3A_298, %broadcast_in_dim3A_301, %select_n3A_295 : vector<8x2048xi1>, vector<8x2048xi32>
    %slice3A_303 = vector.extract_strided_slice %reshape3A_23 {offsets = [41, 0, 0], sizes = [1, 8, 2048], strides = [1, 1, 1]} : vector<64x8x2048xf32> to vector<1x8x2048xf32>
    %squeeze3A_304 = vector.shape_cast %slice3A_303 : vector<1x8x2048xf32> to vector<8x2048xf32>
    %gt3A_305 = arith.cmpf ogt, %squeeze3A_304, %select_n3A_299 : vector<8x2048xf32>
    %select_n3A_306 = arith.select %gt3A_305, %squeeze3A_304, %select_n3A_299 : vector<8x2048xi1>, vector<8x2048xf32>
    %jit3A_307 = arith.constant 41 : i32
    %broadcast_in_dim3A_308 = vector.broadcast %jit3A_307 : i32 to vector<8x2048xi32>
    %select_n3A_309 = arith.select %gt3A_305, %broadcast_in_dim3A_308, %select_n3A_302 : vector<8x2048xi1>, vector<8x2048xi32>
    %slice3A_310 = vector.extract_strided_slice %reshape3A_23 {offsets = [42, 0, 0], sizes = [1, 8, 2048], strides = [1, 1, 1]} : vector<64x8x2048xf32> to vector<1x8x2048xf32>
    %squeeze3A_311 = vector.shape_cast %slice3A_310 : vector<1x8x2048xf32> to vector<8x2048xf32>
    %gt3A_312 = arith.cmpf ogt, %squeeze3A_311, %select_n3A_306 : vector<8x2048xf32>
    %select_n3A_313 = arith.select %gt3A_312, %squeeze3A_311, %select_n3A_306 : vector<8x2048xi1>, vector<8x2048xf32>
    %jit3A_314 = arith.constant 42 : i32
    %broadcast_in_dim3A_315 = vector.broadcast %jit3A_314 : i32 to vector<8x2048xi32>
    %select_n3A_316 = arith.select %gt3A_312, %broadcast_in_dim3A_315, %select_n3A_309 : vector<8x2048xi1>, vector<8x2048xi32>
    %slice3A_317 = vector.extract_strided_slice %reshape3A_23 {offsets = [43, 0, 0], sizes = [1, 8, 2048], strides = [1, 1, 1]} : vector<64x8x2048xf32> to vector<1x8x2048xf32>
    %squeeze3A_318 = vector.shape_cast %slice3A_317 : vector<1x8x2048xf32> to vector<8x2048xf32>
    %gt3A_319 = arith.cmpf ogt, %squeeze3A_318, %select_n3A_313 : vector<8x2048xf32>
    %select_n3A_320 = arith.select %gt3A_319, %squeeze3A_318, %select_n3A_313 : vector<8x2048xi1>, vector<8x2048xf32>
    %jit3A_321 = arith.constant 43 : i32
    %broadcast_in_dim3A_322 = vector.broadcast %jit3A_321 : i32 to vector<8x2048xi32>
    %select_n3A_323 = arith.select %gt3A_319, %broadcast_in_dim3A_322, %select_n3A_316 : vector<8x2048xi1>, vector<8x2048xi32>
    %slice3A_324 = vector.extract_strided_slice %reshape3A_23 {offsets = [44, 0, 0], sizes = [1, 8, 2048], strides = [1, 1, 1]} : vector<64x8x2048xf32> to vector<1x8x2048xf32>
    %squeeze3A_325 = vector.shape_cast %slice3A_324 : vector<1x8x2048xf32> to vector<8x2048xf32>
    %gt3A_326 = arith.cmpf ogt, %squeeze3A_325, %select_n3A_320 : vector<8x2048xf32>
    %select_n3A_327 = arith.select %gt3A_326, %squeeze3A_325, %select_n3A_320 : vector<8x2048xi1>, vector<8x2048xf32>
    %jit3A_328 = arith.constant 44 : i32
    %broadcast_in_dim3A_329 = vector.broadcast %jit3A_328 : i32 to vector<8x2048xi32>
    %select_n3A_330 = arith.select %gt3A_326, %broadcast_in_dim3A_329, %select_n3A_323 : vector<8x2048xi1>, vector<8x2048xi32>
    %slice3A_331 = vector.extract_strided_slice %reshape3A_23 {offsets = [45, 0, 0], sizes = [1, 8, 2048], strides = [1, 1, 1]} : vector<64x8x2048xf32> to vector<1x8x2048xf32>
    %squeeze3A_332 = vector.shape_cast %slice3A_331 : vector<1x8x2048xf32> to vector<8x2048xf32>
    %gt3A_333 = arith.cmpf ogt, %squeeze3A_332, %select_n3A_327 : vector<8x2048xf32>
    %select_n3A_334 = arith.select %gt3A_333, %squeeze3A_332, %select_n3A_327 : vector<8x2048xi1>, vector<8x2048xf32>
    %jit3A_335 = arith.constant 45 : i32
    %broadcast_in_dim3A_336 = vector.broadcast %jit3A_335 : i32 to vector<8x2048xi32>
    %select_n3A_337 = arith.select %gt3A_333, %broadcast_in_dim3A_336, %select_n3A_330 : vector<8x2048xi1>, vector<8x2048xi32>
    %slice3A_338 = vector.extract_strided_slice %reshape3A_23 {offsets = [46, 0, 0], sizes = [1, 8, 2048], strides = [1, 1, 1]} : vector<64x8x2048xf32> to vector<1x8x2048xf32>
    %squeeze3A_339 = vector.shape_cast %slice3A_338 : vector<1x8x2048xf32> to vector<8x2048xf32>
    %gt3A_340 = arith.cmpf ogt, %squeeze3A_339, %select_n3A_334 : vector<8x2048xf32>
    %select_n3A_341 = arith.select %gt3A_340, %squeeze3A_339, %select_n3A_334 : vector<8x2048xi1>, vector<8x2048xf32>
    %jit3A_342 = arith.constant 46 : i32
    %broadcast_in_dim3A_343 = vector.broadcast %jit3A_342 : i32 to vector<8x2048xi32>
    %select_n3A_344 = arith.select %gt3A_340, %broadcast_in_dim3A_343, %select_n3A_337 : vector<8x2048xi1>, vector<8x2048xi32>
    %slice3A_345 = vector.extract_strided_slice %reshape3A_23 {offsets = [47, 0, 0], sizes = [1, 8, 2048], strides = [1, 1, 1]} : vector<64x8x2048xf32> to vector<1x8x2048xf32>
    %squeeze3A_346 = vector.shape_cast %slice3A_345 : vector<1x8x2048xf32> to vector<8x2048xf32>
    %gt3A_347 = arith.cmpf ogt, %squeeze3A_346, %select_n3A_341 : vector<8x2048xf32>
    %select_n3A_348 = arith.select %gt3A_347, %squeeze3A_346, %select_n3A_341 : vector<8x2048xi1>, vector<8x2048xf32>
    %jit3A_349 = arith.constant 47 : i32
    %broadcast_in_dim3A_350 = vector.broadcast %jit3A_349 : i32 to vector<8x2048xi32>
    %select_n3A_351 = arith.select %gt3A_347, %broadcast_in_dim3A_350, %select_n3A_344 : vector<8x2048xi1>, vector<8x2048xi32>
    %slice3A_352 = vector.extract_strided_slice %reshape3A_23 {offsets = [48, 0, 0], sizes = [1, 8, 2048], strides = [1, 1, 1]} : vector<64x8x2048xf32> to vector<1x8x2048xf32>
    %squeeze3A_353 = vector.shape_cast %slice3A_352 : vector<1x8x2048xf32> to vector<8x2048xf32>
    %gt3A_354 = arith.cmpf ogt, %squeeze3A_353, %select_n3A_348 : vector<8x2048xf32>
    %select_n3A_355 = arith.select %gt3A_354, %squeeze3A_353, %select_n3A_348 : vector<8x2048xi1>, vector<8x2048xf32>
    %jit3A_356 = arith.constant 48 : i32
    %broadcast_in_dim3A_357 = vector.broadcast %jit3A_356 : i32 to vector<8x2048xi32>
    %select_n3A_358 = arith.select %gt3A_354, %broadcast_in_dim3A_357, %select_n3A_351 : vector<8x2048xi1>, vector<8x2048xi32>
    %slice3A_359 = vector.extract_strided_slice %reshape3A_23 {offsets = [49, 0, 0], sizes = [1, 8, 2048], strides = [1, 1, 1]} : vector<64x8x2048xf32> to vector<1x8x2048xf32>
    %squeeze3A_360 = vector.shape_cast %slice3A_359 : vector<1x8x2048xf32> to vector<8x2048xf32>
    %gt3A_361 = arith.cmpf ogt, %squeeze3A_360, %select_n3A_355 : vector<8x2048xf32>
    %select_n3A_362 = arith.select %gt3A_361, %squeeze3A_360, %select_n3A_355 : vector<8x2048xi1>, vector<8x2048xf32>
    %jit3A_363 = arith.constant 49 : i32
    %broadcast_in_dim3A_364 = vector.broadcast %jit3A_363 : i32 to vector<8x2048xi32>
    %select_n3A_365 = arith.select %gt3A_361, %broadcast_in_dim3A_364, %select_n3A_358 : vector<8x2048xi1>, vector<8x2048xi32>
    %slice3A_366 = vector.extract_strided_slice %reshape3A_23 {offsets = [50, 0, 0], sizes = [1, 8, 2048], strides = [1, 1, 1]} : vector<64x8x2048xf32> to vector<1x8x2048xf32>
    %squeeze3A_367 = vector.shape_cast %slice3A_366 : vector<1x8x2048xf32> to vector<8x2048xf32>
    %gt3A_368 = arith.cmpf ogt, %squeeze3A_367, %select_n3A_362 : vector<8x2048xf32>
    %select_n3A_369 = arith.select %gt3A_368, %squeeze3A_367, %select_n3A_362 : vector<8x2048xi1>, vector<8x2048xf32>
    %jit3A_370 = arith.constant 50 : i32
    %broadcast_in_dim3A_371 = vector.broadcast %jit3A_370 : i32 to vector<8x2048xi32>
    %select_n3A_372 = arith.select %gt3A_368, %broadcast_in_dim3A_371, %select_n3A_365 : vector<8x2048xi1>, vector<8x2048xi32>
    %slice3A_373 = vector.extract_strided_slice %reshape3A_23 {offsets = [51, 0, 0], sizes = [1, 8, 2048], strides = [1, 1, 1]} : vector<64x8x2048xf32> to vector<1x8x2048xf32>
    %squeeze3A_374 = vector.shape_cast %slice3A_373 : vector<1x8x2048xf32> to vector<8x2048xf32>
    %gt3A_375 = arith.cmpf ogt, %squeeze3A_374, %select_n3A_369 : vector<8x2048xf32>
    %select_n3A_376 = arith.select %gt3A_375, %squeeze3A_374, %select_n3A_369 : vector<8x2048xi1>, vector<8x2048xf32>
    %jit3A_377 = arith.constant 51 : i32
    %broadcast_in_dim3A_378 = vector.broadcast %jit3A_377 : i32 to vector<8x2048xi32>
    %select_n3A_379 = arith.select %gt3A_375, %broadcast_in_dim3A_378, %select_n3A_372 : vector<8x2048xi1>, vector<8x2048xi32>
    %slice3A_380 = vector.extract_strided_slice %reshape3A_23 {offsets = [52, 0, 0], sizes = [1, 8, 2048], strides = [1, 1, 1]} : vector<64x8x2048xf32> to vector<1x8x2048xf32>
    %squeeze3A_381 = vector.shape_cast %slice3A_380 : vector<1x8x2048xf32> to vector<8x2048xf32>
    %gt3A_382 = arith.cmpf ogt, %squeeze3A_381, %select_n3A_376 : vector<8x2048xf32>
    %select_n3A_383 = arith.select %gt3A_382, %squeeze3A_381, %select_n3A_376 : vector<8x2048xi1>, vector<8x2048xf32>
    %jit3A_384 = arith.constant 52 : i32
    %broadcast_in_dim3A_385 = vector.broadcast %jit3A_384 : i32 to vector<8x2048xi32>
    %select_n3A_386 = arith.select %gt3A_382, %broadcast_in_dim3A_385, %select_n3A_379 : vector<8x2048xi1>, vector<8x2048xi32>
    %slice3A_387 = vector.extract_strided_slice %reshape3A_23 {offsets = [53, 0, 0], sizes = [1, 8, 2048], strides = [1, 1, 1]} : vector<64x8x2048xf32> to vector<1x8x2048xf32>
    %squeeze3A_388 = vector.shape_cast %slice3A_387 : vector<1x8x2048xf32> to vector<8x2048xf32>
    %gt3A_389 = arith.cmpf ogt, %squeeze3A_388, %select_n3A_383 : vector<8x2048xf32>
    %select_n3A_390 = arith.select %gt3A_389, %squeeze3A_388, %select_n3A_383 : vector<8x2048xi1>, vector<8x2048xf32>
    %jit3A_391 = arith.constant 53 : i32
    %broadcast_in_dim3A_392 = vector.broadcast %jit3A_391 : i32 to vector<8x2048xi32>
    %select_n3A_393 = arith.select %gt3A_389, %broadcast_in_dim3A_392, %select_n3A_386 : vector<8x2048xi1>, vector<8x2048xi32>
    %slice3A_394 = vector.extract_strided_slice %reshape3A_23 {offsets = [54, 0, 0], sizes = [1, 8, 2048], strides = [1, 1, 1]} : vector<64x8x2048xf32> to vector<1x8x2048xf32>
    %squeeze3A_395 = vector.shape_cast %slice3A_394 : vector<1x8x2048xf32> to vector<8x2048xf32>
    %gt3A_396 = arith.cmpf ogt, %squeeze3A_395, %select_n3A_390 : vector<8x2048xf32>
    %select_n3A_397 = arith.select %gt3A_396, %squeeze3A_395, %select_n3A_390 : vector<8x2048xi1>, vector<8x2048xf32>
    %jit3A_398 = arith.constant 54 : i32
    %broadcast_in_dim3A_399 = vector.broadcast %jit3A_398 : i32 to vector<8x2048xi32>
    %select_n3A_400 = arith.select %gt3A_396, %broadcast_in_dim3A_399, %select_n3A_393 : vector<8x2048xi1>, vector<8x2048xi32>
    %slice3A_401 = vector.extract_strided_slice %reshape3A_23 {offsets = [55, 0, 0], sizes = [1, 8, 2048], strides = [1, 1, 1]} : vector<64x8x2048xf32> to vector<1x8x2048xf32>
    %squeeze3A_402 = vector.shape_cast %slice3A_401 : vector<1x8x2048xf32> to vector<8x2048xf32>
    %gt3A_403 = arith.cmpf ogt, %squeeze3A_402, %select_n3A_397 : vector<8x2048xf32>
    %select_n3A_404 = arith.select %gt3A_403, %squeeze3A_402, %select_n3A_397 : vector<8x2048xi1>, vector<8x2048xf32>
    %jit3A_405 = arith.constant 55 : i32
    %broadcast_in_dim3A_406 = vector.broadcast %jit3A_405 : i32 to vector<8x2048xi32>
    %select_n3A_407 = arith.select %gt3A_403, %broadcast_in_dim3A_406, %select_n3A_400 : vector<8x2048xi1>, vector<8x2048xi32>
    %slice3A_408 = vector.extract_strided_slice %reshape3A_23 {offsets = [56, 0, 0], sizes = [1, 8, 2048], strides = [1, 1, 1]} : vector<64x8x2048xf32> to vector<1x8x2048xf32>
    %squeeze3A_409 = vector.shape_cast %slice3A_408 : vector<1x8x2048xf32> to vector<8x2048xf32>
    %gt3A_410 = arith.cmpf ogt, %squeeze3A_409, %select_n3A_404 : vector<8x2048xf32>
    %select_n3A_411 = arith.select %gt3A_410, %squeeze3A_409, %select_n3A_404 : vector<8x2048xi1>, vector<8x2048xf32>
    %jit3A_412 = arith.constant 56 : i32
    %broadcast_in_dim3A_413 = vector.broadcast %jit3A_412 : i32 to vector<8x2048xi32>
    %select_n3A_414 = arith.select %gt3A_410, %broadcast_in_dim3A_413, %select_n3A_407 : vector<8x2048xi1>, vector<8x2048xi32>
    %slice3A_415 = vector.extract_strided_slice %reshape3A_23 {offsets = [57, 0, 0], sizes = [1, 8, 2048], strides = [1, 1, 1]} : vector<64x8x2048xf32> to vector<1x8x2048xf32>
    %squeeze3A_416 = vector.shape_cast %slice3A_415 : vector<1x8x2048xf32> to vector<8x2048xf32>
    %gt3A_417 = arith.cmpf ogt, %squeeze3A_416, %select_n3A_411 : vector<8x2048xf32>
    %select_n3A_418 = arith.select %gt3A_417, %squeeze3A_416, %select_n3A_411 : vector<8x2048xi1>, vector<8x2048xf32>
    %jit3A_419 = arith.constant 57 : i32
    %broadcast_in_dim3A_420 = vector.broadcast %jit3A_419 : i32 to vector<8x2048xi32>
    %select_n3A_421 = arith.select %gt3A_417, %broadcast_in_dim3A_420, %select_n3A_414 : vector<8x2048xi1>, vector<8x2048xi32>
    %slice3A_422 = vector.extract_strided_slice %reshape3A_23 {offsets = [58, 0, 0], sizes = [1, 8, 2048], strides = [1, 1, 1]} : vector<64x8x2048xf32> to vector<1x8x2048xf32>
    %squeeze3A_423 = vector.shape_cast %slice3A_422 : vector<1x8x2048xf32> to vector<8x2048xf32>
    %gt3A_424 = arith.cmpf ogt, %squeeze3A_423, %select_n3A_418 : vector<8x2048xf32>
    %select_n3A_425 = arith.select %gt3A_424, %squeeze3A_423, %select_n3A_418 : vector<8x2048xi1>, vector<8x2048xf32>
    %jit3A_426 = arith.constant 58 : i32
    %broadcast_in_dim3A_427 = vector.broadcast %jit3A_426 : i32 to vector<8x2048xi32>
    %select_n3A_428 = arith.select %gt3A_424, %broadcast_in_dim3A_427, %select_n3A_421 : vector<8x2048xi1>, vector<8x2048xi32>
    %slice3A_429 = vector.extract_strided_slice %reshape3A_23 {offsets = [59, 0, 0], sizes = [1, 8, 2048], strides = [1, 1, 1]} : vector<64x8x2048xf32> to vector<1x8x2048xf32>
    %squeeze3A_430 = vector.shape_cast %slice3A_429 : vector<1x8x2048xf32> to vector<8x2048xf32>
    %gt3A_431 = arith.cmpf ogt, %squeeze3A_430, %select_n3A_425 : vector<8x2048xf32>
    %select_n3A_432 = arith.select %gt3A_431, %squeeze3A_430, %select_n3A_425 : vector<8x2048xi1>, vector<8x2048xf32>
    %jit3A_433 = arith.constant 59 : i32
    %broadcast_in_dim3A_434 = vector.broadcast %jit3A_433 : i32 to vector<8x2048xi32>
    %select_n3A_435 = arith.select %gt3A_431, %broadcast_in_dim3A_434, %select_n3A_428 : vector<8x2048xi1>, vector<8x2048xi32>
    %slice3A_436 = vector.extract_strided_slice %reshape3A_23 {offsets = [60, 0, 0], sizes = [1, 8, 2048], strides = [1, 1, 1]} : vector<64x8x2048xf32> to vector<1x8x2048xf32>
    %squeeze3A_437 = vector.shape_cast %slice3A_436 : vector<1x8x2048xf32> to vector<8x2048xf32>
    %gt3A_438 = arith.cmpf ogt, %squeeze3A_437, %select_n3A_432 : vector<8x2048xf32>
    %select_n3A_439 = arith.select %gt3A_438, %squeeze3A_437, %select_n3A_432 : vector<8x2048xi1>, vector<8x2048xf32>
    %jit3A_440 = arith.constant 60 : i32
    %broadcast_in_dim3A_441 = vector.broadcast %jit3A_440 : i32 to vector<8x2048xi32>
    %select_n3A_442 = arith.select %gt3A_438, %broadcast_in_dim3A_441, %select_n3A_435 : vector<8x2048xi1>, vector<8x2048xi32>
    %slice3A_443 = vector.extract_strided_slice %reshape3A_23 {offsets = [61, 0, 0], sizes = [1, 8, 2048], strides = [1, 1, 1]} : vector<64x8x2048xf32> to vector<1x8x2048xf32>
    %squeeze3A_444 = vector.shape_cast %slice3A_443 : vector<1x8x2048xf32> to vector<8x2048xf32>
    %gt3A_445 = arith.cmpf ogt, %squeeze3A_444, %select_n3A_439 : vector<8x2048xf32>
    %select_n3A_446 = arith.select %gt3A_445, %squeeze3A_444, %select_n3A_439 : vector<8x2048xi1>, vector<8x2048xf32>
    %jit3A_447 = arith.constant 61 : i32
    %broadcast_in_dim3A_448 = vector.broadcast %jit3A_447 : i32 to vector<8x2048xi32>
    %select_n3A_449 = arith.select %gt3A_445, %broadcast_in_dim3A_448, %select_n3A_442 : vector<8x2048xi1>, vector<8x2048xi32>
    %slice3A_450 = vector.extract_strided_slice %reshape3A_23 {offsets = [62, 0, 0], sizes = [1, 8, 2048], strides = [1, 1, 1]} : vector<64x8x2048xf32> to vector<1x8x2048xf32>
    %squeeze3A_451 = vector.shape_cast %slice3A_450 : vector<1x8x2048xf32> to vector<8x2048xf32>
    %gt3A_452 = arith.cmpf ogt, %squeeze3A_451, %select_n3A_446 : vector<8x2048xf32>
    %select_n3A_453 = arith.select %gt3A_452, %squeeze3A_451, %select_n3A_446 : vector<8x2048xi1>, vector<8x2048xf32>
    %jit3A_454 = arith.constant 62 : i32
    %broadcast_in_dim3A_455 = vector.broadcast %jit3A_454 : i32 to vector<8x2048xi32>
    %select_n3A_456 = arith.select %gt3A_452, %broadcast_in_dim3A_455, %select_n3A_449 : vector<8x2048xi1>, vector<8x2048xi32>
    %slice3A_457 = vector.extract_strided_slice %reshape3A_23 {offsets = [63, 0, 0], sizes = [1, 8, 2048], strides = [1, 1, 1]} : vector<64x8x2048xf32> to vector<1x8x2048xf32>
    %squeeze3A_458 = vector.shape_cast %slice3A_457 : vector<1x8x2048xf32> to vector<8x2048xf32>
    %gt3A_459 = arith.cmpf ogt, %squeeze3A_458, %select_n3A_453 : vector<8x2048xf32>
    %select_n3A_460 = arith.select %gt3A_459, %squeeze3A_458, %select_n3A_453 : vector<8x2048xi1>, vector<8x2048xf32>
    %jit3A_461 = arith.constant 63 : i32
    %broadcast_in_dim3A_462 = vector.broadcast %jit3A_461 : i32 to vector<8x2048xi32>
    %select_n3A_463 = arith.select %gt3A_459, %broadcast_in_dim3A_462, %select_n3A_456 : vector<8x2048xi1>, vector<8x2048xi32>
    %iota3A = tpu.iota {dimensions = array<i32: 0>} : vector<8x2048xi32>
    %mul3A_464 = arith.constant 8 : i32
    %mul3A_465 = vector.broadcast %mul3A_464 : i32 to vector<8x2048xi32>
    %mul3A_466 = arith.muli %select_n3A_463, %mul3A_465 : vector<8x2048xi32>
    %add3A_467 = arith.addi %mul3A_466, %iota3A : vector<8x2048xi32>
    %reduce_max3A = arith.constant dense<0xFF800000> : vector<2048xf32>
    %reduce_max3A_468 = vector.multi_reduction <maximumf>, %select_n3A_460, %reduce_max3A [0] : vector<8x2048xf32> to vector<2048xf32>
    %broadcast_in_dim3A_469 = vector.shape_cast %reduce_max3A_468 : vector<2048xf32> to vector<1x2048xf32>
    %eq3A_470 = vector.broadcast %broadcast_in_dim3A_469 : vector<1x2048xf32> to vector<8x2048xf32>
    %eq3A_471 = arith.cmpf oeq, %select_n3A_460, %eq3A_470 : vector<8x2048xf32>
    %jit3A_472 = arith.constant 512 : i32
    %broadcast_in_dim3A_473 = vector.broadcast %jit3A_472 : i32 to vector<8x2048xi32>
    %select_n3A_474 = arith.select %eq3A_471, %add3A_467, %broadcast_in_dim3A_473 : vector<8x2048xi1>, vector<8x2048xi32>
    %reduce_min3A = arith.constant dense<2147483647> : vector<2048xi32>
    %reduce_min3A_475 = vector.multi_reduction <minsi>, %select_n3A_474, %reduce_min3A [0] : vector<8x2048xi32> to vector<2048xi32>
    %swap3A = arith.constant 0 : index
    %swap3A_476 = arith.constant 0 : index
    %swap3A_477 = arith.constant 0 : index
    %swap3A_478 = vector.load %arg7[%swap3A, %swap3A_476, %swap3A_477] : memref<1x1x2048xi32, #tpu.memory_space<vmem>>, vector<1x1x2048xi32>
    %swap3A_479 = vector.shape_cast %swap3A_478 : vector<1x1x2048xi32> to vector<2048xi32>
    %swap3A_480 = vector.shape_cast %reduce_min3A_475 : vector<2048xi32> to vector<1x1x2048xi32>
    tpu.vector_store %arg7[%swap3A, %swap3A_476, %swap3A_477], %swap3A_480 {strides = array<i32>} : memref<1x1x2048xi32, #tpu.memory_space<vmem>>, vector<1x1x2048xi32>,
    %mul3A_481 = arith.mulf %add3A_15, %add3A_15 : vector<2048x32xf32>
    %reduce_sum3A_482 = vector.shape_cast %mul3A_481 : vector<2048x32xf32> to vector<1x2048x32xf32>
    %reduce_sum3A_483 = arith.constant dense<0.000000e+00> : vector<1xf32>
    %reduce_sum3A_484 = vector.multi_reduction <add>, %reduce_sum3A_482, %reduce_sum3A_483 [1, 2] : vector<1x2048x32xf32> to vector<1xf32>
    %reduce_sum3A_485 = vector.shape_cast %reduce_sum3A_484 : vector<1xf32> to vector<1x1x1xf32>
    %reduce_sum3A_486 = vector.extract %reduce_sum3A_485[0, 0, 0] : f32 from vector<1x1x1xf32>
    %reduce_sum3A_487 = vector.shape_cast %reduce_max3A_468 : vector<2048xf32> to vector<1x2048xf32>
    %reduce_sum3A_488 = arith.constant dense<0.000000e+00> : vector<1xf32>
    %reduce_sum3A_489 = vector.multi_reduction <add>, %reduce_sum3A_487, %reduce_sum3A_488 [1] : vector<1x2048xf32> to vector<1xf32>
    %reduce_sum3A_490 = vector.shape_cast %reduce_sum3A_489 : vector<1xf32> to vector<1x1xf32>
    %reduce_sum3A_491 = vector.extract %reduce_sum3A_490[0, 0] : f32 from vector<1x1xf32>
    %sub3A_492 = arith.subf %reduce_sum3A_486, %reduce_sum3A_491 : f32
    %reshape3A_493 = vector.broadcast %sub3A_492 : f32 to vector<1x1xf32>
    %eq3A_494 = arith.constant 0 : i32
    %eq3A_495 = arith.cmpi eq, %arg0, %eq3A_494 : i32
    %broadcast_in_dim3A_496 = arith.constant 0.000000e+00 : f32
    %broadcast_in_dim3A_497 = vector.broadcast %broadcast_in_dim3A_496 : f32 to vector<1x1xf32>
    %get3A_498 = arith.constant 0 : index
    %get3A_499 = arith.constant 0 : index
    %get3A_500 = vector.load %arg8[%get3A_498, %get3A_499] : memref<1x1xf32, #tpu.memory_space<vmem>>, vector<1x1xf32>
    %select_n3A_501 = arith.select %eq3A_495, %broadcast_in_dim3A_497, %get3A_500 : vector<1x1xf32>
    %add3A_502 = arith.addf %select_n3A_501, %reshape3A_493 : vector<1x1xf32>
    %swap3A_503 = arith.constant 0 : index
    %swap3A_504 = arith.constant 0 : index
    %swap3A_505 = vector.load %arg8[%swap3A_503, %swap3A_504] : memref<1x1xf32, #tpu.memory_space<vmem>>, vector<1x1xf32>
    tpu.vector_store %arg8[%swap3A_503, %swap3A_504], %add3A_502 {strides = array<i32>} : memref<1x1xf32, #tpu.memory_space<vmem>>, vector<1x1xf32>,
    %iota3A_506 = tpu.iota {dimensions = array<i32: 1>} : vector<2048x512xi32>
    %broadcast_in_dim3A_507 = vector.shape_cast %reduce_min3A_475 : vector<2048xi32> to vector<2048x1xi32>
    %eq3A_508 = vector.broadcast %broadcast_in_dim3A_507 : vector<2048x1xi32> to vector<2048x512xi32>
    %eq3A_509 = arith.cmpi eq, %iota3A_506, %eq3A_508 : vector<2048x512xi32>
    %jit3A_510 = arith.constant 1.000000e+00 : f32
    %jit3A_511 = arith.constant 0.000000e+00 : f32
    %broadcast_in_dim3A_512 = vector.broadcast %jit3A_510 : f32 to vector<2048x512xf32>
    %broadcast_in_dim3A_513 = vector.broadcast %jit3A_511 : f32 to vector<2048x512xf32>
    %select_n3A_514 = arith.select %eq3A_509, %broadcast_in_dim3A_512, %broadcast_in_dim3A_513 : vector<2048x512xi1>, vector<2048x512xf32>
    %get3A_515 = arith.constant 0 : index
    %get3A_516 = arith.constant 0 : index
    %get3A_517 = vector.load %arg10[%get3A_515, %get3A_516] : memref<512x96xf32, #tpu.memory_space<vmem>>, vector<512x96xf32>
    %dot_general3A_518 = arith.constant dense<0.000000e+00> : vector<2048x96xf32>
    %dot_general3A_519 = tpu.matmul %select_n3A_514, %get3A_517, %dot_general3A_518 {dimension_numbers = #tpu.dot_dimension_numbers<[1], [0], [0], [1], [0, 0, 1, 1], [], []>, transpose_lhs_hint = false} : vector<2048x512xf32>, vector<512x96xf32>, vector<2048x96xf32> -> vector<2048x96xf32>
    %reshape3A_520 = vector.shape_cast %dot_general3A_519 : vector<2048x96xf32> to vector<2x1024x96xf32>
    %swap3A_521 = arith.constant 0 : index
    %swap3A_522 = arith.constant 0 : index
    %swap3A_523 = arith.constant 0 : index
    %swap3A_524 = vector.load %arg9[%swap3A_521, %swap3A_522, %swap3A_523] : memref<2x1024x96xf32, #tpu.memory_space<vmem>>, vector<2x1024x96xf32>
    tpu.vector_store %arg9[%swap3A_521, %swap3A_522, %swap3A_523], %reshape3A_520 {strides = array<i32>} : memref<2x1024x96xf32, #tpu.memory_space<vmem>>, vector<2x1024x96xf32>,
    return
  }
  func.func @transform_0(%arg0: i32) -> (i32, i32, i32) {
    %c0_i32 = arith.constant 0 : i32
    %c0_i32_0 = arith.constant 0 : i32
    %c0_i32_1 = arith.constant 0 : i32
    return %arg0, %c0_i32, %c0_i32_0 : i32, i32, i32
  }
  func.func @transform_1(%arg0: i32) -> (i32, i32) {
    %c0_i32 = arith.constant 0 : i32
    %c0_i32_0 = arith.constant 0 : i32
    %c0_i32_1 = arith.constant 0 : i32
    return %c0_i32, %c0_i32_0 : i32, i32
  }
  func.func @transform_2(%arg0: i32) -> (i32, i32) {
    %c0_i32 = arith.constant 0 : i32
    %c0_i32_0 = arith.constant 0 : i32
    %c0_i32_1 = arith.constant 0 : i32
    return %c0_i32, %c0_i32_0 : i32, i32
  }
  func.func @transform_3(%arg0: i32) -> (i32, i32) {
    %c0_i32 = arith.constant 0 : i32
    %c0_i32_0 = arith.constant 0 : i32
    %c0_i32_1 = arith.constant 0 : i32
    return %c0_i32, %c0_i32_0 : i32, i32
  }
  func.func @transform_4(%arg0: i32) -> (i32, i32) {
    %c0_i32 = arith.constant 0 : i32
    %c0_i32_0 = arith.constant 0 : i32
    %c0_i32_1 = arith.constant 0 : i32
    return %c0_i32, %c0_i32_0 : i32, i32
  }
  func.func @transform_5(%arg0: i32) -> (i32, i32) {
    %c0_i32 = arith.constant 0 : i32
    %c0_i32_0 = arith.constant 0 : i32
    %c0_i32_1 = arith.constant 0 : i32
    return %c0_i32, %c0_i32_0 : i32, i32
  }
  func.func @transform_6(%arg0: i32) -> (i32, i32, i32) {
    %c0_i32 = arith.constant 0 : i32
    %c0_i32_0 = arith.constant 0 : i32
    %c0_i32_1 = arith.constant 0 : i32
    return %arg0, %c0_i32, %c0_i32_0 : i32, i32, i32
  }
  func.func @transform_7(%arg0: i32) -> (i32, i32) {
    %c0_i32 = arith.constant 0 : i32
    %c0_i32_0 = arith.constant 0 : i32
    %c0_i32_1 = arith.constant 0 : i32
    return %c0_i32, %c0_i32_0 : i32, i32
  }
  func.func @transform_8(%arg0: i32) -> (i32, i32, i32) {
    %c0_i32 = arith.constant 0 : i32
    %c0_i32_0 = arith.constant 0 : i32
    %c0_i32_1 = arith.constant 0 : i32
    return %arg0, %c0_i32, %c0_i32_0 : i32, i32, i32
  }
}

module attributes {stable_mosaic.version = 14 : i64} {
  func.func @_tc_body(%arg0: i32, %arg1: memref<2x1024x96xf32, #tpu.memory_space<vmem>>, %arg2: memref<96x32xf32, #tpu.memory_space<vmem>>, %arg3: memref<1x32xf32, #tpu.memory_space<vmem>>, %arg4: memref<512x32xf32, #tpu.memory_space<vmem>>, %arg5: memref<32x96xf32, #tpu.memory_space<vmem>>, %arg6: memref<1x96xf32, #tpu.memory_space<vmem>>, %arg7: memref<1x1x2048xi32, #tpu.memory_space<vmem>>, %arg8: memref<1x1xf32, #tpu.memory_space<vmem>>, %arg9: memref<512x128xf32, #tpu.memory_space<vmem>>) attributes {dimension_semantics = [#tpu.dimension_semantics<arbitrary>], iteration_bounds = array<i64: 4>, scalar_prefetch = 0 : i64, scratch_operands = 0 : i64, tpu.core_type = #tpu.core_type<tc>, window_params = [{transform_indices = @transform_0, window_bounds = array<i64: 2, 1024, 96>}, {pipeline_mode = #tpu.pipeline_mode<synchronous>, transform_indices = @transform_1, window_bounds = array<i64: 96, 32>}, {pipeline_mode = #tpu.pipeline_mode<synchronous>, transform_indices = @transform_2, window_bounds = array<i64: 1, 32>}, {pipeline_mode = #tpu.pipeline_mode<synchronous>, transform_indices = @transform_3, window_bounds = array<i64: 512, 32>}, {pipeline_mode = #tpu.pipeline_mode<synchronous>, transform_indices = @transform_4, window_bounds = array<i64: 32, 96>}, {pipeline_mode = #tpu.pipeline_mode<synchronous>, transform_indices = @transform_5, window_bounds = array<i64: 1, 96>}, {transform_indices = @transform_6, window_bounds = array<i64: 1, 1, 2048>}, {pipeline_mode = #tpu.pipeline_mode<synchronous>, transform_indices = @transform_7, window_bounds = array<i64: 1, 1>}, {pipeline_mode = #tpu.pipeline_mode<synchronous>, transform_indices = @transform_8, window_bounds = array<i64: 512, 128>}]} {
    %get3A = arith.constant 0 : index
    %get3A_0 = arith.constant 0 : index
    %get3A_1 = vector.load %arg4[%get3A, %get3A_0] : memref<512x32xf32, #tpu.memory_space<vmem>>, vector<512x32xf32>
    %eq3A = arith.constant 0 : i32
    %eq3A_2 = arith.cmpi eq, %arg0, %eq3A : i32
    %convert_element_type3A = arith.extui %eq3A_2 : i1 to i32
    %cond3A = arith.constant 0 : i32
    %cond3A_3 = arith.cmpi ne, %convert_element_type3A, %cond3A : i32
    scf.if %cond3A_3 {
      %get3A_506 = arith.constant 0 : index
      %get3A_507 = arith.constant 0 : index
      %get3A_508 = vector.load %arg5[%get3A_506, %get3A_507] : memref<32x96xf32, #tpu.memory_space<vmem>>, vector<32x96xf32>
      %dot_general3A_509 = arith.constant dense<0.000000e+00> : vector<512x96xf32>
      %dot_general3A_510 = tpu.matmul %get3A_1, %get3A_508, %dot_general3A_509 {dimension_numbers = #tpu.dot_dimension_numbers<[1], [0], [0], [1], [0, 0, 1, 1], [], []>, transpose_lhs_hint = false} : vector<512x32xf32>, vector<32x96xf32>, vector<512x96xf32> -> vector<512x96xf32>
      %get3A_511 = arith.constant 0 : index
      %get3A_512 = arith.constant 0 : index
      %get3A_513 = vector.load %arg6[%get3A_511, %get3A_512] : memref<1x96xf32, #tpu.memory_space<vmem>>, vector<1x96xf32>
      %add3A_514 = vector.broadcast %get3A_513 : vector<1x96xf32> to vector<512x96xf32>
      %add3A_515 = arith.addf %dot_general3A_510, %add3A_514 : vector<512x96xf32>
      %broadcast_in_dim3A_516 = arith.constant 0.000000e+00 : f32
      %broadcast_in_dim3A_517 = vector.broadcast %broadcast_in_dim3A_516 : f32 to vector<512x32xf32>
      %concatenate3A = tpu.concatenate %add3A_515, %broadcast_in_dim3A_517 in 1 : vector<512x96xf32>, vector<512x32xf32> -> vector<512x128xf32>
      %swap3A_518 = arith.constant 0 : index
      %swap3A_519 = arith.constant 0 : index
      %swap3A_520 = vector.load %arg9[%swap3A_518, %swap3A_519] : memref<512x128xf32, #tpu.memory_space<vmem>>, vector<512x128xf32>
      tpu.vector_store %arg9[%swap3A_518, %swap3A_519], %concatenate3A {strides = array<i32>} : memref<512x128xf32, #tpu.memory_space<vmem>>, vector<512x128xf32>,
    } else {
    }
    %get3A_4 = arith.constant 0 : index
    %get3A_5 = arith.constant 0 : index
    %get3A_6 = arith.constant 0 : index
    %get3A_7 = vector.load %arg1[%get3A_4, %get3A_5, %get3A_6] : memref<2x1024x96xf32, #tpu.memory_space<vmem>>, vector<2x1024x96xf32>
    %reshape3A = vector.shape_cast %get3A_7 : vector<2x1024x96xf32> to vector<2048x96xf32>
    %get3A_8 = arith.constant 0 : index
    %get3A_9 = arith.constant 0 : index
    %get3A_10 = vector.load %arg2[%get3A_8, %get3A_9] : memref<96x32xf32, #tpu.memory_space<vmem>>, vector<96x32xf32>
    %dot_general3A = arith.constant dense<0.000000e+00> : vector<2048x32xf32>
    %dot_general3A_11 = tpu.matmul %reshape3A, %get3A_10, %dot_general3A {dimension_numbers = #tpu.dot_dimension_numbers<[1], [0], [0], [1], [0, 0, 1, 1], [], []>, transpose_lhs_hint = false} : vector<2048x96xf32>, vector<96x32xf32>, vector<2048x32xf32> -> vector<2048x32xf32>
    %get3A_12 = arith.constant 0 : index
    %get3A_13 = arith.constant 0 : index
    %get3A_14 = vector.load %arg3[%get3A_12, %get3A_13] : memref<1x32xf32, #tpu.memory_space<vmem>>, vector<1x32xf32>
    %add3A = vector.broadcast %get3A_14 : vector<1x32xf32> to vector<2048x32xf32>
    %add3A_15 = arith.addf %dot_general3A_11, %add3A : vector<2048x32xf32>
    %transpose3A = tpu.transpose %add3A_15, [1, 0] : vector<2048x32xf32> -> vector<32x2048xf32>
    %mul3A = arith.mulf %get3A_1, %get3A_1 : vector<512x32xf32>
    %reduce_sum3A = arith.constant dense<0.000000e+00> : vector<512xf32>
    %reduce_sum3A_16 = vector.multi_reduction <add>, %mul3A, %reduce_sum3A [1] : vector<512x32xf32> to vector<512xf32>
    %mul3A_17 = arith.constant 2.000000e+00 : f32
    %mul3A_18 = vector.broadcast %mul3A_17 : f32 to vector<512x32xf32>
    %mul3A_19 = arith.mulf %mul3A_18, %get3A_1 : vector<512x32xf32>
    %dot_general3A_20 = arith.constant dense<0.000000e+00> : vector<512x2048xf32>
    %dot_general3A_21 = tpu.matmul %mul3A_19, %transpose3A, %dot_general3A_20 {dimension_numbers = #tpu.dot_dimension_numbers<[1], [0], [0], [1], [0, 0, 1, 1], [], []>, transpose_lhs_hint = false} : vector<512x32xf32>, vector<32x2048xf32>, vector<512x2048xf32> -> vector<512x2048xf32>
    %broadcast_in_dim3A = vector.shape_cast %reduce_sum3A_16 : vector<512xf32> to vector<512x1xf32>
    %sub3A = vector.broadcast %broadcast_in_dim3A : vector<512x1xf32> to vector<512x2048xf32>
    %sub3A_22 = arith.subf %dot_general3A_21, %sub3A : vector<512x2048xf32>
    %reshape3A_23 = vector.shape_cast %sub3A_22 : vector<512x2048xf32> to vector<64x8x2048xf32>
    %slice3A = vector.extract_strided_slice %reshape3A_23 {offsets = [0, 0, 0], sizes = [1, 8, 2048], strides = [1, 1, 1]} : vector<64x8x2048xf32> to vector<1x8x2048xf32>
    %squeeze3A = vector.shape_cast %slice3A : vector<1x8x2048xf32> to vector<8x2048xf32>
    %broadcast_in_dim3A_24 = arith.constant 0 : i32
    %broadcast_in_dim3A_25 = vector.broadcast %broadcast_in_dim3A_24 : i32 to vector<8x2048xi32>
    %slice3A_26 = vector.extract_strided_slice %reshape3A_23 {offsets = [1, 0, 0], sizes = [1, 8, 2048], strides = [1, 1, 1]} : vector<64x8x2048xf32> to vector<1x8x2048xf32>
    %squeeze3A_27 = vector.shape_cast %slice3A_26 : vector<1x8x2048xf32> to vector<8x2048xf32>
    %gt3A = arith.cmpf ogt, %squeeze3A_27, %squeeze3A : vector<8x2048xf32>
    %select_n3A = arith.select %gt3A, %squeeze3A_27, %squeeze3A : vector<8x2048xi1>, vector<8x2048xf32>
    %jit3A = arith.constant 1 : i32
    %broadcast_in_dim3A_28 = vector.broadcast %jit3A : i32 to vector<8x2048xi32>
    %select_n3A_29 = arith.select %gt3A, %broadcast_in_dim3A_28, %broadcast_in_dim3A_25 : vector<8x2048xi1>, vector<8x2048xi32>
    %slice3A_30 = vector.extract_strided_slice %reshape3A_23 {offsets = [2, 0, 0], sizes = [1, 8, 2048], strides = [1, 1, 1]} : vector<64x8x2048xf32> to vector<1x8x2048xf32>
    %squeeze3A_31 = vector.shape_cast %slice3A_30 : vector<1x8x2048xf32> to vector<8x2048xf32>
    %gt3A_32 = arith.cmpf ogt, %squeeze3A_31, %select_n3A : vector<8x2048xf32>
    %select_n3A_33 = arith.select %gt3A_32, %squeeze3A_31, %select_n3A : vector<8x2048xi1>, vector<8x2048xf32>
    %jit3A_34 = arith.constant 2 : i32
    %broadcast_in_dim3A_35 = vector.broadcast %jit3A_34 : i32 to vector<8x2048xi32>
    %select_n3A_36 = arith.select %gt3A_32, %broadcast_in_dim3A_35, %select_n3A_29 : vector<8x2048xi1>, vector<8x2048xi32>
    %slice3A_37 = vector.extract_strided_slice %reshape3A_23 {offsets = [3, 0, 0], sizes = [1, 8, 2048], strides = [1, 1, 1]} : vector<64x8x2048xf32> to vector<1x8x2048xf32>
    %squeeze3A_38 = vector.shape_cast %slice3A_37 : vector<1x8x2048xf32> to vector<8x2048xf32>
    %gt3A_39 = arith.cmpf ogt, %squeeze3A_38, %select_n3A_33 : vector<8x2048xf32>
    %select_n3A_40 = arith.select %gt3A_39, %squeeze3A_38, %select_n3A_33 : vector<8x2048xi1>, vector<8x2048xf32>
    %jit3A_41 = arith.constant 3 : i32
    %broadcast_in_dim3A_42 = vector.broadcast %jit3A_41 : i32 to vector<8x2048xi32>
    %select_n3A_43 = arith.select %gt3A_39, %broadcast_in_dim3A_42, %select_n3A_36 : vector<8x2048xi1>, vector<8x2048xi32>
    %slice3A_44 = vector.extract_strided_slice %reshape3A_23 {offsets = [4, 0, 0], sizes = [1, 8, 2048], strides = [1, 1, 1]} : vector<64x8x2048xf32> to vector<1x8x2048xf32>
    %squeeze3A_45 = vector.shape_cast %slice3A_44 : vector<1x8x2048xf32> to vector<8x2048xf32>
    %gt3A_46 = arith.cmpf ogt, %squeeze3A_45, %select_n3A_40 : vector<8x2048xf32>
    %select_n3A_47 = arith.select %gt3A_46, %squeeze3A_45, %select_n3A_40 : vector<8x2048xi1>, vector<8x2048xf32>
    %jit3A_48 = arith.constant 4 : i32
    %broadcast_in_dim3A_49 = vector.broadcast %jit3A_48 : i32 to vector<8x2048xi32>
    %select_n3A_50 = arith.select %gt3A_46, %broadcast_in_dim3A_49, %select_n3A_43 : vector<8x2048xi1>, vector<8x2048xi32>
    %slice3A_51 = vector.extract_strided_slice %reshape3A_23 {offsets = [5, 0, 0], sizes = [1, 8, 2048], strides = [1, 1, 1]} : vector<64x8x2048xf32> to vector<1x8x2048xf32>
    %squeeze3A_52 = vector.shape_cast %slice3A_51 : vector<1x8x2048xf32> to vector<8x2048xf32>
    %gt3A_53 = arith.cmpf ogt, %squeeze3A_52, %select_n3A_47 : vector<8x2048xf32>
    %select_n3A_54 = arith.select %gt3A_53, %squeeze3A_52, %select_n3A_47 : vector<8x2048xi1>, vector<8x2048xf32>
    %jit3A_55 = arith.constant 5 : i32
    %broadcast_in_dim3A_56 = vector.broadcast %jit3A_55 : i32 to vector<8x2048xi32>
    %select_n3A_57 = arith.select %gt3A_53, %broadcast_in_dim3A_56, %select_n3A_50 : vector<8x2048xi1>, vector<8x2048xi32>
    %slice3A_58 = vector.extract_strided_slice %reshape3A_23 {offsets = [6, 0, 0], sizes = [1, 8, 2048], strides = [1, 1, 1]} : vector<64x8x2048xf32> to vector<1x8x2048xf32>
    %squeeze3A_59 = vector.shape_cast %slice3A_58 : vector<1x8x2048xf32> to vector<8x2048xf32>
    %gt3A_60 = arith.cmpf ogt, %squeeze3A_59, %select_n3A_54 : vector<8x2048xf32>
    %select_n3A_61 = arith.select %gt3A_60, %squeeze3A_59, %select_n3A_54 : vector<8x2048xi1>, vector<8x2048xf32>
    %jit3A_62 = arith.constant 6 : i32
    %broadcast_in_dim3A_63 = vector.broadcast %jit3A_62 : i32 to vector<8x2048xi32>
    %select_n3A_64 = arith.select %gt3A_60, %broadcast_in_dim3A_63, %select_n3A_57 : vector<8x2048xi1>, vector<8x2048xi32>
    %slice3A_65 = vector.extract_strided_slice %reshape3A_23 {offsets = [7, 0, 0], sizes = [1, 8, 2048], strides = [1, 1, 1]} : vector<64x8x2048xf32> to vector<1x8x2048xf32>
    %squeeze3A_66 = vector.shape_cast %slice3A_65 : vector<1x8x2048xf32> to vector<8x2048xf32>
    %gt3A_67 = arith.cmpf ogt, %squeeze3A_66, %select_n3A_61 : vector<8x2048xf32>
    %select_n3A_68 = arith.select %gt3A_67, %squeeze3A_66, %select_n3A_61 : vector<8x2048xi1>, vector<8x2048xf32>
    %jit3A_69 = arith.constant 7 : i32
    %broadcast_in_dim3A_70 = vector.broadcast %jit3A_69 : i32 to vector<8x2048xi32>
    %select_n3A_71 = arith.select %gt3A_67, %broadcast_in_dim3A_70, %select_n3A_64 : vector<8x2048xi1>, vector<8x2048xi32>
    %slice3A_72 = vector.extract_strided_slice %reshape3A_23 {offsets = [8, 0, 0], sizes = [1, 8, 2048], strides = [1, 1, 1]} : vector<64x8x2048xf32> to vector<1x8x2048xf32>
    %squeeze3A_73 = vector.shape_cast %slice3A_72 : vector<1x8x2048xf32> to vector<8x2048xf32>
    %gt3A_74 = arith.cmpf ogt, %squeeze3A_73, %select_n3A_68 : vector<8x2048xf32>
    %select_n3A_75 = arith.select %gt3A_74, %squeeze3A_73, %select_n3A_68 : vector<8x2048xi1>, vector<8x2048xf32>
    %jit3A_76 = arith.constant 8 : i32
    %broadcast_in_dim3A_77 = vector.broadcast %jit3A_76 : i32 to vector<8x2048xi32>
    %select_n3A_78 = arith.select %gt3A_74, %broadcast_in_dim3A_77, %select_n3A_71 : vector<8x2048xi1>, vector<8x2048xi32>
    %slice3A_79 = vector.extract_strided_slice %reshape3A_23 {offsets = [9, 0, 0], sizes = [1, 8, 2048], strides = [1, 1, 1]} : vector<64x8x2048xf32> to vector<1x8x2048xf32>
    %squeeze3A_80 = vector.shape_cast %slice3A_79 : vector<1x8x2048xf32> to vector<8x2048xf32>
    %gt3A_81 = arith.cmpf ogt, %squeeze3A_80, %select_n3A_75 : vector<8x2048xf32>
    %select_n3A_82 = arith.select %gt3A_81, %squeeze3A_80, %select_n3A_75 : vector<8x2048xi1>, vector<8x2048xf32>
    %jit3A_83 = arith.constant 9 : i32
    %broadcast_in_dim3A_84 = vector.broadcast %jit3A_83 : i32 to vector<8x2048xi32>
    %select_n3A_85 = arith.select %gt3A_81, %broadcast_in_dim3A_84, %select_n3A_78 : vector<8x2048xi1>, vector<8x2048xi32>
    %slice3A_86 = vector.extract_strided_slice %reshape3A_23 {offsets = [10, 0, 0], sizes = [1, 8, 2048], strides = [1, 1, 1]} : vector<64x8x2048xf32> to vector<1x8x2048xf32>
    %squeeze3A_87 = vector.shape_cast %slice3A_86 : vector<1x8x2048xf32> to vector<8x2048xf32>
    %gt3A_88 = arith.cmpf ogt, %squeeze3A_87, %select_n3A_82 : vector<8x2048xf32>
    %select_n3A_89 = arith.select %gt3A_88, %squeeze3A_87, %select_n3A_82 : vector<8x2048xi1>, vector<8x2048xf32>
    %jit3A_90 = arith.constant 10 : i32
    %broadcast_in_dim3A_91 = vector.broadcast %jit3A_90 : i32 to vector<8x2048xi32>
    %select_n3A_92 = arith.select %gt3A_88, %broadcast_in_dim3A_91, %select_n3A_85 : vector<8x2048xi1>, vector<8x2048xi32>
    %slice3A_93 = vector.extract_strided_slice %reshape3A_23 {offsets = [11, 0, 0], sizes = [1, 8, 2048], strides = [1, 1, 1]} : vector<64x8x2048xf32> to vector<1x8x2048xf32>
    %squeeze3A_94 = vector.shape_cast %slice3A_93 : vector<1x8x2048xf32> to vector<8x2048xf32>
    %gt3A_95 = arith.cmpf ogt, %squeeze3A_94, %select_n3A_89 : vector<8x2048xf32>
    %select_n3A_96 = arith.select %gt3A_95, %squeeze3A_94, %select_n3A_89 : vector<8x2048xi1>, vector<8x2048xf32>
    %jit3A_97 = arith.constant 11 : i32
    %broadcast_in_dim3A_98 = vector.broadcast %jit3A_97 : i32 to vector<8x2048xi32>
    %select_n3A_99 = arith.select %gt3A_95, %broadcast_in_dim3A_98, %select_n3A_92 : vector<8x2048xi1>, vector<8x2048xi32>
    %slice3A_100 = vector.extract_strided_slice %reshape3A_23 {offsets = [12, 0, 0], sizes = [1, 8, 2048], strides = [1, 1, 1]} : vector<64x8x2048xf32> to vector<1x8x2048xf32>
    %squeeze3A_101 = vector.shape_cast %slice3A_100 : vector<1x8x2048xf32> to vector<8x2048xf32>
    %gt3A_102 = arith.cmpf ogt, %squeeze3A_101, %select_n3A_96 : vector<8x2048xf32>
    %select_n3A_103 = arith.select %gt3A_102, %squeeze3A_101, %select_n3A_96 : vector<8x2048xi1>, vector<8x2048xf32>
    %jit3A_104 = arith.constant 12 : i32
    %broadcast_in_dim3A_105 = vector.broadcast %jit3A_104 : i32 to vector<8x2048xi32>
    %select_n3A_106 = arith.select %gt3A_102, %broadcast_in_dim3A_105, %select_n3A_99 : vector<8x2048xi1>, vector<8x2048xi32>
    %slice3A_107 = vector.extract_strided_slice %reshape3A_23 {offsets = [13, 0, 0], sizes = [1, 8, 2048], strides = [1, 1, 1]} : vector<64x8x2048xf32> to vector<1x8x2048xf32>
    %squeeze3A_108 = vector.shape_cast %slice3A_107 : vector<1x8x2048xf32> to vector<8x2048xf32>
    %gt3A_109 = arith.cmpf ogt, %squeeze3A_108, %select_n3A_103 : vector<8x2048xf32>
    %select_n3A_110 = arith.select %gt3A_109, %squeeze3A_108, %select_n3A_103 : vector<8x2048xi1>, vector<8x2048xf32>
    %jit3A_111 = arith.constant 13 : i32
    %broadcast_in_dim3A_112 = vector.broadcast %jit3A_111 : i32 to vector<8x2048xi32>
    %select_n3A_113 = arith.select %gt3A_109, %broadcast_in_dim3A_112, %select_n3A_106 : vector<8x2048xi1>, vector<8x2048xi32>
    %slice3A_114 = vector.extract_strided_slice %reshape3A_23 {offsets = [14, 0, 0], sizes = [1, 8, 2048], strides = [1, 1, 1]} : vector<64x8x2048xf32> to vector<1x8x2048xf32>
    %squeeze3A_115 = vector.shape_cast %slice3A_114 : vector<1x8x2048xf32> to vector<8x2048xf32>
    %gt3A_116 = arith.cmpf ogt, %squeeze3A_115, %select_n3A_110 : vector<8x2048xf32>
    %select_n3A_117 = arith.select %gt3A_116, %squeeze3A_115, %select_n3A_110 : vector<8x2048xi1>, vector<8x2048xf32>
    %jit3A_118 = arith.constant 14 : i32
    %broadcast_in_dim3A_119 = vector.broadcast %jit3A_118 : i32 to vector<8x2048xi32>
    %select_n3A_120 = arith.select %gt3A_116, %broadcast_in_dim3A_119, %select_n3A_113 : vector<8x2048xi1>, vector<8x2048xi32>
    %slice3A_121 = vector.extract_strided_slice %reshape3A_23 {offsets = [15, 0, 0], sizes = [1, 8, 2048], strides = [1, 1, 1]} : vector<64x8x2048xf32> to vector<1x8x2048xf32>
    %squeeze3A_122 = vector.shape_cast %slice3A_121 : vector<1x8x2048xf32> to vector<8x2048xf32>
    %gt3A_123 = arith.cmpf ogt, %squeeze3A_122, %select_n3A_117 : vector<8x2048xf32>
    %select_n3A_124 = arith.select %gt3A_123, %squeeze3A_122, %select_n3A_117 : vector<8x2048xi1>, vector<8x2048xf32>
    %jit3A_125 = arith.constant 15 : i32
    %broadcast_in_dim3A_126 = vector.broadcast %jit3A_125 : i32 to vector<8x2048xi32>
    %select_n3A_127 = arith.select %gt3A_123, %broadcast_in_dim3A_126, %select_n3A_120 : vector<8x2048xi1>, vector<8x2048xi32>
    %slice3A_128 = vector.extract_strided_slice %reshape3A_23 {offsets = [16, 0, 0], sizes = [1, 8, 2048], strides = [1, 1, 1]} : vector<64x8x2048xf32> to vector<1x8x2048xf32>
    %squeeze3A_129 = vector.shape_cast %slice3A_128 : vector<1x8x2048xf32> to vector<8x2048xf32>
    %gt3A_130 = arith.cmpf ogt, %squeeze3A_129, %select_n3A_124 : vector<8x2048xf32>
    %select_n3A_131 = arith.select %gt3A_130, %squeeze3A_129, %select_n3A_124 : vector<8x2048xi1>, vector<8x2048xf32>
    %jit3A_132 = arith.constant 16 : i32
    %broadcast_in_dim3A_133 = vector.broadcast %jit3A_132 : i32 to vector<8x2048xi32>
    %select_n3A_134 = arith.select %gt3A_130, %broadcast_in_dim3A_133, %select_n3A_127 : vector<8x2048xi1>, vector<8x2048xi32>
    %slice3A_135 = vector.extract_strided_slice %reshape3A_23 {offsets = [17, 0, 0], sizes = [1, 8, 2048], strides = [1, 1, 1]} : vector<64x8x2048xf32> to vector<1x8x2048xf32>
    %squeeze3A_136 = vector.shape_cast %slice3A_135 : vector<1x8x2048xf32> to vector<8x2048xf32>
    %gt3A_137 = arith.cmpf ogt, %squeeze3A_136, %select_n3A_131 : vector<8x2048xf32>
    %select_n3A_138 = arith.select %gt3A_137, %squeeze3A_136, %select_n3A_131 : vector<8x2048xi1>, vector<8x2048xf32>
    %jit3A_139 = arith.constant 17 : i32
    %broadcast_in_dim3A_140 = vector.broadcast %jit3A_139 : i32 to vector<8x2048xi32>
    %select_n3A_141 = arith.select %gt3A_137, %broadcast_in_dim3A_140, %select_n3A_134 : vector<8x2048xi1>, vector<8x2048xi32>
    %slice3A_142 = vector.extract_strided_slice %reshape3A_23 {offsets = [18, 0, 0], sizes = [1, 8, 2048], strides = [1, 1, 1]} : vector<64x8x2048xf32> to vector<1x8x2048xf32>
    %squeeze3A_143 = vector.shape_cast %slice3A_142 : vector<1x8x2048xf32> to vector<8x2048xf32>
    %gt3A_144 = arith.cmpf ogt, %squeeze3A_143, %select_n3A_138 : vector<8x2048xf32>
    %select_n3A_145 = arith.select %gt3A_144, %squeeze3A_143, %select_n3A_138 : vector<8x2048xi1>, vector<8x2048xf32>
    %jit3A_146 = arith.constant 18 : i32
    %broadcast_in_dim3A_147 = vector.broadcast %jit3A_146 : i32 to vector<8x2048xi32>
    %select_n3A_148 = arith.select %gt3A_144, %broadcast_in_dim3A_147, %select_n3A_141 : vector<8x2048xi1>, vector<8x2048xi32>
    %slice3A_149 = vector.extract_strided_slice %reshape3A_23 {offsets = [19, 0, 0], sizes = [1, 8, 2048], strides = [1, 1, 1]} : vector<64x8x2048xf32> to vector<1x8x2048xf32>
    %squeeze3A_150 = vector.shape_cast %slice3A_149 : vector<1x8x2048xf32> to vector<8x2048xf32>
    %gt3A_151 = arith.cmpf ogt, %squeeze3A_150, %select_n3A_145 : vector<8x2048xf32>
    %select_n3A_152 = arith.select %gt3A_151, %squeeze3A_150, %select_n3A_145 : vector<8x2048xi1>, vector<8x2048xf32>
    %jit3A_153 = arith.constant 19 : i32
    %broadcast_in_dim3A_154 = vector.broadcast %jit3A_153 : i32 to vector<8x2048xi32>
    %select_n3A_155 = arith.select %gt3A_151, %broadcast_in_dim3A_154, %select_n3A_148 : vector<8x2048xi1>, vector<8x2048xi32>
    %slice3A_156 = vector.extract_strided_slice %reshape3A_23 {offsets = [20, 0, 0], sizes = [1, 8, 2048], strides = [1, 1, 1]} : vector<64x8x2048xf32> to vector<1x8x2048xf32>
    %squeeze3A_157 = vector.shape_cast %slice3A_156 : vector<1x8x2048xf32> to vector<8x2048xf32>
    %gt3A_158 = arith.cmpf ogt, %squeeze3A_157, %select_n3A_152 : vector<8x2048xf32>
    %select_n3A_159 = arith.select %gt3A_158, %squeeze3A_157, %select_n3A_152 : vector<8x2048xi1>, vector<8x2048xf32>
    %jit3A_160 = arith.constant 20 : i32
    %broadcast_in_dim3A_161 = vector.broadcast %jit3A_160 : i32 to vector<8x2048xi32>
    %select_n3A_162 = arith.select %gt3A_158, %broadcast_in_dim3A_161, %select_n3A_155 : vector<8x2048xi1>, vector<8x2048xi32>
    %slice3A_163 = vector.extract_strided_slice %reshape3A_23 {offsets = [21, 0, 0], sizes = [1, 8, 2048], strides = [1, 1, 1]} : vector<64x8x2048xf32> to vector<1x8x2048xf32>
    %squeeze3A_164 = vector.shape_cast %slice3A_163 : vector<1x8x2048xf32> to vector<8x2048xf32>
    %gt3A_165 = arith.cmpf ogt, %squeeze3A_164, %select_n3A_159 : vector<8x2048xf32>
    %select_n3A_166 = arith.select %gt3A_165, %squeeze3A_164, %select_n3A_159 : vector<8x2048xi1>, vector<8x2048xf32>
    %jit3A_167 = arith.constant 21 : i32
    %broadcast_in_dim3A_168 = vector.broadcast %jit3A_167 : i32 to vector<8x2048xi32>
    %select_n3A_169 = arith.select %gt3A_165, %broadcast_in_dim3A_168, %select_n3A_162 : vector<8x2048xi1>, vector<8x2048xi32>
    %slice3A_170 = vector.extract_strided_slice %reshape3A_23 {offsets = [22, 0, 0], sizes = [1, 8, 2048], strides = [1, 1, 1]} : vector<64x8x2048xf32> to vector<1x8x2048xf32>
    %squeeze3A_171 = vector.shape_cast %slice3A_170 : vector<1x8x2048xf32> to vector<8x2048xf32>
    %gt3A_172 = arith.cmpf ogt, %squeeze3A_171, %select_n3A_166 : vector<8x2048xf32>
    %select_n3A_173 = arith.select %gt3A_172, %squeeze3A_171, %select_n3A_166 : vector<8x2048xi1>, vector<8x2048xf32>
    %jit3A_174 = arith.constant 22 : i32
    %broadcast_in_dim3A_175 = vector.broadcast %jit3A_174 : i32 to vector<8x2048xi32>
    %select_n3A_176 = arith.select %gt3A_172, %broadcast_in_dim3A_175, %select_n3A_169 : vector<8x2048xi1>, vector<8x2048xi32>
    %slice3A_177 = vector.extract_strided_slice %reshape3A_23 {offsets = [23, 0, 0], sizes = [1, 8, 2048], strides = [1, 1, 1]} : vector<64x8x2048xf32> to vector<1x8x2048xf32>
    %squeeze3A_178 = vector.shape_cast %slice3A_177 : vector<1x8x2048xf32> to vector<8x2048xf32>
    %gt3A_179 = arith.cmpf ogt, %squeeze3A_178, %select_n3A_173 : vector<8x2048xf32>
    %select_n3A_180 = arith.select %gt3A_179, %squeeze3A_178, %select_n3A_173 : vector<8x2048xi1>, vector<8x2048xf32>
    %jit3A_181 = arith.constant 23 : i32
    %broadcast_in_dim3A_182 = vector.broadcast %jit3A_181 : i32 to vector<8x2048xi32>
    %select_n3A_183 = arith.select %gt3A_179, %broadcast_in_dim3A_182, %select_n3A_176 : vector<8x2048xi1>, vector<8x2048xi32>
    %slice3A_184 = vector.extract_strided_slice %reshape3A_23 {offsets = [24, 0, 0], sizes = [1, 8, 2048], strides = [1, 1, 1]} : vector<64x8x2048xf32> to vector<1x8x2048xf32>
    %squeeze3A_185 = vector.shape_cast %slice3A_184 : vector<1x8x2048xf32> to vector<8x2048xf32>
    %gt3A_186 = arith.cmpf ogt, %squeeze3A_185, %select_n3A_180 : vector<8x2048xf32>
    %select_n3A_187 = arith.select %gt3A_186, %squeeze3A_185, %select_n3A_180 : vector<8x2048xi1>, vector<8x2048xf32>
    %jit3A_188 = arith.constant 24 : i32
    %broadcast_in_dim3A_189 = vector.broadcast %jit3A_188 : i32 to vector<8x2048xi32>
    %select_n3A_190 = arith.select %gt3A_186, %broadcast_in_dim3A_189, %select_n3A_183 : vector<8x2048xi1>, vector<8x2048xi32>
    %slice3A_191 = vector.extract_strided_slice %reshape3A_23 {offsets = [25, 0, 0], sizes = [1, 8, 2048], strides = [1, 1, 1]} : vector<64x8x2048xf32> to vector<1x8x2048xf32>
    %squeeze3A_192 = vector.shape_cast %slice3A_191 : vector<1x8x2048xf32> to vector<8x2048xf32>
    %gt3A_193 = arith.cmpf ogt, %squeeze3A_192, %select_n3A_187 : vector<8x2048xf32>
    %select_n3A_194 = arith.select %gt3A_193, %squeeze3A_192, %select_n3A_187 : vector<8x2048xi1>, vector<8x2048xf32>
    %jit3A_195 = arith.constant 25 : i32
    %broadcast_in_dim3A_196 = vector.broadcast %jit3A_195 : i32 to vector<8x2048xi32>
    %select_n3A_197 = arith.select %gt3A_193, %broadcast_in_dim3A_196, %select_n3A_190 : vector<8x2048xi1>, vector<8x2048xi32>
    %slice3A_198 = vector.extract_strided_slice %reshape3A_23 {offsets = [26, 0, 0], sizes = [1, 8, 2048], strides = [1, 1, 1]} : vector<64x8x2048xf32> to vector<1x8x2048xf32>
    %squeeze3A_199 = vector.shape_cast %slice3A_198 : vector<1x8x2048xf32> to vector<8x2048xf32>
    %gt3A_200 = arith.cmpf ogt, %squeeze3A_199, %select_n3A_194 : vector<8x2048xf32>
    %select_n3A_201 = arith.select %gt3A_200, %squeeze3A_199, %select_n3A_194 : vector<8x2048xi1>, vector<8x2048xf32>
    %jit3A_202 = arith.constant 26 : i32
    %broadcast_in_dim3A_203 = vector.broadcast %jit3A_202 : i32 to vector<8x2048xi32>
    %select_n3A_204 = arith.select %gt3A_200, %broadcast_in_dim3A_203, %select_n3A_197 : vector<8x2048xi1>, vector<8x2048xi32>
    %slice3A_205 = vector.extract_strided_slice %reshape3A_23 {offsets = [27, 0, 0], sizes = [1, 8, 2048], strides = [1, 1, 1]} : vector<64x8x2048xf32> to vector<1x8x2048xf32>
    %squeeze3A_206 = vector.shape_cast %slice3A_205 : vector<1x8x2048xf32> to vector<8x2048xf32>
    %gt3A_207 = arith.cmpf ogt, %squeeze3A_206, %select_n3A_201 : vector<8x2048xf32>
    %select_n3A_208 = arith.select %gt3A_207, %squeeze3A_206, %select_n3A_201 : vector<8x2048xi1>, vector<8x2048xf32>
    %jit3A_209 = arith.constant 27 : i32
    %broadcast_in_dim3A_210 = vector.broadcast %jit3A_209 : i32 to vector<8x2048xi32>
    %select_n3A_211 = arith.select %gt3A_207, %broadcast_in_dim3A_210, %select_n3A_204 : vector<8x2048xi1>, vector<8x2048xi32>
    %slice3A_212 = vector.extract_strided_slice %reshape3A_23 {offsets = [28, 0, 0], sizes = [1, 8, 2048], strides = [1, 1, 1]} : vector<64x8x2048xf32> to vector<1x8x2048xf32>
    %squeeze3A_213 = vector.shape_cast %slice3A_212 : vector<1x8x2048xf32> to vector<8x2048xf32>
    %gt3A_214 = arith.cmpf ogt, %squeeze3A_213, %select_n3A_208 : vector<8x2048xf32>
    %select_n3A_215 = arith.select %gt3A_214, %squeeze3A_213, %select_n3A_208 : vector<8x2048xi1>, vector<8x2048xf32>
    %jit3A_216 = arith.constant 28 : i32
    %broadcast_in_dim3A_217 = vector.broadcast %jit3A_216 : i32 to vector<8x2048xi32>
    %select_n3A_218 = arith.select %gt3A_214, %broadcast_in_dim3A_217, %select_n3A_211 : vector<8x2048xi1>, vector<8x2048xi32>
    %slice3A_219 = vector.extract_strided_slice %reshape3A_23 {offsets = [29, 0, 0], sizes = [1, 8, 2048], strides = [1, 1, 1]} : vector<64x8x2048xf32> to vector<1x8x2048xf32>
    %squeeze3A_220 = vector.shape_cast %slice3A_219 : vector<1x8x2048xf32> to vector<8x2048xf32>
    %gt3A_221 = arith.cmpf ogt, %squeeze3A_220, %select_n3A_215 : vector<8x2048xf32>
    %select_n3A_222 = arith.select %gt3A_221, %squeeze3A_220, %select_n3A_215 : vector<8x2048xi1>, vector<8x2048xf32>
    %jit3A_223 = arith.constant 29 : i32
    %broadcast_in_dim3A_224 = vector.broadcast %jit3A_223 : i32 to vector<8x2048xi32>
    %select_n3A_225 = arith.select %gt3A_221, %broadcast_in_dim3A_224, %select_n3A_218 : vector<8x2048xi1>, vector<8x2048xi32>
    %slice3A_226 = vector.extract_strided_slice %reshape3A_23 {offsets = [30, 0, 0], sizes = [1, 8, 2048], strides = [1, 1, 1]} : vector<64x8x2048xf32> to vector<1x8x2048xf32>
    %squeeze3A_227 = vector.shape_cast %slice3A_226 : vector<1x8x2048xf32> to vector<8x2048xf32>
    %gt3A_228 = arith.cmpf ogt, %squeeze3A_227, %select_n3A_222 : vector<8x2048xf32>
    %select_n3A_229 = arith.select %gt3A_228, %squeeze3A_227, %select_n3A_222 : vector<8x2048xi1>, vector<8x2048xf32>
    %jit3A_230 = arith.constant 30 : i32
    %broadcast_in_dim3A_231 = vector.broadcast %jit3A_230 : i32 to vector<8x2048xi32>
    %select_n3A_232 = arith.select %gt3A_228, %broadcast_in_dim3A_231, %select_n3A_225 : vector<8x2048xi1>, vector<8x2048xi32>
    %slice3A_233 = vector.extract_strided_slice %reshape3A_23 {offsets = [31, 0, 0], sizes = [1, 8, 2048], strides = [1, 1, 1]} : vector<64x8x2048xf32> to vector<1x8x2048xf32>
    %squeeze3A_234 = vector.shape_cast %slice3A_233 : vector<1x8x2048xf32> to vector<8x2048xf32>
    %gt3A_235 = arith.cmpf ogt, %squeeze3A_234, %select_n3A_229 : vector<8x2048xf32>
    %select_n3A_236 = arith.select %gt3A_235, %squeeze3A_234, %select_n3A_229 : vector<8x2048xi1>, vector<8x2048xf32>
    %jit3A_237 = arith.constant 31 : i32
    %broadcast_in_dim3A_238 = vector.broadcast %jit3A_237 : i32 to vector<8x2048xi32>
    %select_n3A_239 = arith.select %gt3A_235, %broadcast_in_dim3A_238, %select_n3A_232 : vector<8x2048xi1>, vector<8x2048xi32>
    %slice3A_240 = vector.extract_strided_slice %reshape3A_23 {offsets = [32, 0, 0], sizes = [1, 8, 2048], strides = [1, 1, 1]} : vector<64x8x2048xf32> to vector<1x8x2048xf32>
    %squeeze3A_241 = vector.shape_cast %slice3A_240 : vector<1x8x2048xf32> to vector<8x2048xf32>
    %gt3A_242 = arith.cmpf ogt, %squeeze3A_241, %select_n3A_236 : vector<8x2048xf32>
    %select_n3A_243 = arith.select %gt3A_242, %squeeze3A_241, %select_n3A_236 : vector<8x2048xi1>, vector<8x2048xf32>
    %jit3A_244 = arith.constant 32 : i32
    %broadcast_in_dim3A_245 = vector.broadcast %jit3A_244 : i32 to vector<8x2048xi32>
    %select_n3A_246 = arith.select %gt3A_242, %broadcast_in_dim3A_245, %select_n3A_239 : vector<8x2048xi1>, vector<8x2048xi32>
    %slice3A_247 = vector.extract_strided_slice %reshape3A_23 {offsets = [33, 0, 0], sizes = [1, 8, 2048], strides = [1, 1, 1]} : vector<64x8x2048xf32> to vector<1x8x2048xf32>
    %squeeze3A_248 = vector.shape_cast %slice3A_247 : vector<1x8x2048xf32> to vector<8x2048xf32>
    %gt3A_249 = arith.cmpf ogt, %squeeze3A_248, %select_n3A_243 : vector<8x2048xf32>
    %select_n3A_250 = arith.select %gt3A_249, %squeeze3A_248, %select_n3A_243 : vector<8x2048xi1>, vector<8x2048xf32>
    %jit3A_251 = arith.constant 33 : i32
    %broadcast_in_dim3A_252 = vector.broadcast %jit3A_251 : i32 to vector<8x2048xi32>
    %select_n3A_253 = arith.select %gt3A_249, %broadcast_in_dim3A_252, %select_n3A_246 : vector<8x2048xi1>, vector<8x2048xi32>
    %slice3A_254 = vector.extract_strided_slice %reshape3A_23 {offsets = [34, 0, 0], sizes = [1, 8, 2048], strides = [1, 1, 1]} : vector<64x8x2048xf32> to vector<1x8x2048xf32>
    %squeeze3A_255 = vector.shape_cast %slice3A_254 : vector<1x8x2048xf32> to vector<8x2048xf32>
    %gt3A_256 = arith.cmpf ogt, %squeeze3A_255, %select_n3A_250 : vector<8x2048xf32>
    %select_n3A_257 = arith.select %gt3A_256, %squeeze3A_255, %select_n3A_250 : vector<8x2048xi1>, vector<8x2048xf32>
    %jit3A_258 = arith.constant 34 : i32
    %broadcast_in_dim3A_259 = vector.broadcast %jit3A_258 : i32 to vector<8x2048xi32>
    %select_n3A_260 = arith.select %gt3A_256, %broadcast_in_dim3A_259, %select_n3A_253 : vector<8x2048xi1>, vector<8x2048xi32>
    %slice3A_261 = vector.extract_strided_slice %reshape3A_23 {offsets = [35, 0, 0], sizes = [1, 8, 2048], strides = [1, 1, 1]} : vector<64x8x2048xf32> to vector<1x8x2048xf32>
    %squeeze3A_262 = vector.shape_cast %slice3A_261 : vector<1x8x2048xf32> to vector<8x2048xf32>
    %gt3A_263 = arith.cmpf ogt, %squeeze3A_262, %select_n3A_257 : vector<8x2048xf32>
    %select_n3A_264 = arith.select %gt3A_263, %squeeze3A_262, %select_n3A_257 : vector<8x2048xi1>, vector<8x2048xf32>
    %jit3A_265 = arith.constant 35 : i32
    %broadcast_in_dim3A_266 = vector.broadcast %jit3A_265 : i32 to vector<8x2048xi32>
    %select_n3A_267 = arith.select %gt3A_263, %broadcast_in_dim3A_266, %select_n3A_260 : vector<8x2048xi1>, vector<8x2048xi32>
    %slice3A_268 = vector.extract_strided_slice %reshape3A_23 {offsets = [36, 0, 0], sizes = [1, 8, 2048], strides = [1, 1, 1]} : vector<64x8x2048xf32> to vector<1x8x2048xf32>
    %squeeze3A_269 = vector.shape_cast %slice3A_268 : vector<1x8x2048xf32> to vector<8x2048xf32>
    %gt3A_270 = arith.cmpf ogt, %squeeze3A_269, %select_n3A_264 : vector<8x2048xf32>
    %select_n3A_271 = arith.select %gt3A_270, %squeeze3A_269, %select_n3A_264 : vector<8x2048xi1>, vector<8x2048xf32>
    %jit3A_272 = arith.constant 36 : i32
    %broadcast_in_dim3A_273 = vector.broadcast %jit3A_272 : i32 to vector<8x2048xi32>
    %select_n3A_274 = arith.select %gt3A_270, %broadcast_in_dim3A_273, %select_n3A_267 : vector<8x2048xi1>, vector<8x2048xi32>
    %slice3A_275 = vector.extract_strided_slice %reshape3A_23 {offsets = [37, 0, 0], sizes = [1, 8, 2048], strides = [1, 1, 1]} : vector<64x8x2048xf32> to vector<1x8x2048xf32>
    %squeeze3A_276 = vector.shape_cast %slice3A_275 : vector<1x8x2048xf32> to vector<8x2048xf32>
    %gt3A_277 = arith.cmpf ogt, %squeeze3A_276, %select_n3A_271 : vector<8x2048xf32>
    %select_n3A_278 = arith.select %gt3A_277, %squeeze3A_276, %select_n3A_271 : vector<8x2048xi1>, vector<8x2048xf32>
    %jit3A_279 = arith.constant 37 : i32
    %broadcast_in_dim3A_280 = vector.broadcast %jit3A_279 : i32 to vector<8x2048xi32>
    %select_n3A_281 = arith.select %gt3A_277, %broadcast_in_dim3A_280, %select_n3A_274 : vector<8x2048xi1>, vector<8x2048xi32>
    %slice3A_282 = vector.extract_strided_slice %reshape3A_23 {offsets = [38, 0, 0], sizes = [1, 8, 2048], strides = [1, 1, 1]} : vector<64x8x2048xf32> to vector<1x8x2048xf32>
    %squeeze3A_283 = vector.shape_cast %slice3A_282 : vector<1x8x2048xf32> to vector<8x2048xf32>
    %gt3A_284 = arith.cmpf ogt, %squeeze3A_283, %select_n3A_278 : vector<8x2048xf32>
    %select_n3A_285 = arith.select %gt3A_284, %squeeze3A_283, %select_n3A_278 : vector<8x2048xi1>, vector<8x2048xf32>
    %jit3A_286 = arith.constant 38 : i32
    %broadcast_in_dim3A_287 = vector.broadcast %jit3A_286 : i32 to vector<8x2048xi32>
    %select_n3A_288 = arith.select %gt3A_284, %broadcast_in_dim3A_287, %select_n3A_281 : vector<8x2048xi1>, vector<8x2048xi32>
    %slice3A_289 = vector.extract_strided_slice %reshape3A_23 {offsets = [39, 0, 0], sizes = [1, 8, 2048], strides = [1, 1, 1]} : vector<64x8x2048xf32> to vector<1x8x2048xf32>
    %squeeze3A_290 = vector.shape_cast %slice3A_289 : vector<1x8x2048xf32> to vector<8x2048xf32>
    %gt3A_291 = arith.cmpf ogt, %squeeze3A_290, %select_n3A_285 : vector<8x2048xf32>
    %select_n3A_292 = arith.select %gt3A_291, %squeeze3A_290, %select_n3A_285 : vector<8x2048xi1>, vector<8x2048xf32>
    %jit3A_293 = arith.constant 39 : i32
    %broadcast_in_dim3A_294 = vector.broadcast %jit3A_293 : i32 to vector<8x2048xi32>
    %select_n3A_295 = arith.select %gt3A_291, %broadcast_in_dim3A_294, %select_n3A_288 : vector<8x2048xi1>, vector<8x2048xi32>
    %slice3A_296 = vector.extract_strided_slice %reshape3A_23 {offsets = [40, 0, 0], sizes = [1, 8, 2048], strides = [1, 1, 1]} : vector<64x8x2048xf32> to vector<1x8x2048xf32>
    %squeeze3A_297 = vector.shape_cast %slice3A_296 : vector<1x8x2048xf32> to vector<8x2048xf32>
    %gt3A_298 = arith.cmpf ogt, %squeeze3A_297, %select_n3A_292 : vector<8x2048xf32>
    %select_n3A_299 = arith.select %gt3A_298, %squeeze3A_297, %select_n3A_292 : vector<8x2048xi1>, vector<8x2048xf32>
    %jit3A_300 = arith.constant 40 : i32
    %broadcast_in_dim3A_301 = vector.broadcast %jit3A_300 : i32 to vector<8x2048xi32>
    %select_n3A_302 = arith.select %gt3A_298, %broadcast_in_dim3A_301, %select_n3A_295 : vector<8x2048xi1>, vector<8x2048xi32>
    %slice3A_303 = vector.extract_strided_slice %reshape3A_23 {offsets = [41, 0, 0], sizes = [1, 8, 2048], strides = [1, 1, 1]} : vector<64x8x2048xf32> to vector<1x8x2048xf32>
    %squeeze3A_304 = vector.shape_cast %slice3A_303 : vector<1x8x2048xf32> to vector<8x2048xf32>
    %gt3A_305 = arith.cmpf ogt, %squeeze3A_304, %select_n3A_299 : vector<8x2048xf32>
    %select_n3A_306 = arith.select %gt3A_305, %squeeze3A_304, %select_n3A_299 : vector<8x2048xi1>, vector<8x2048xf32>
    %jit3A_307 = arith.constant 41 : i32
    %broadcast_in_dim3A_308 = vector.broadcast %jit3A_307 : i32 to vector<8x2048xi32>
    %select_n3A_309 = arith.select %gt3A_305, %broadcast_in_dim3A_308, %select_n3A_302 : vector<8x2048xi1>, vector<8x2048xi32>
    %slice3A_310 = vector.extract_strided_slice %reshape3A_23 {offsets = [42, 0, 0], sizes = [1, 8, 2048], strides = [1, 1, 1]} : vector<64x8x2048xf32> to vector<1x8x2048xf32>
    %squeeze3A_311 = vector.shape_cast %slice3A_310 : vector<1x8x2048xf32> to vector<8x2048xf32>
    %gt3A_312 = arith.cmpf ogt, %squeeze3A_311, %select_n3A_306 : vector<8x2048xf32>
    %select_n3A_313 = arith.select %gt3A_312, %squeeze3A_311, %select_n3A_306 : vector<8x2048xi1>, vector<8x2048xf32>
    %jit3A_314 = arith.constant 42 : i32
    %broadcast_in_dim3A_315 = vector.broadcast %jit3A_314 : i32 to vector<8x2048xi32>
    %select_n3A_316 = arith.select %gt3A_312, %broadcast_in_dim3A_315, %select_n3A_309 : vector<8x2048xi1>, vector<8x2048xi32>
    %slice3A_317 = vector.extract_strided_slice %reshape3A_23 {offsets = [43, 0, 0], sizes = [1, 8, 2048], strides = [1, 1, 1]} : vector<64x8x2048xf32> to vector<1x8x2048xf32>
    %squeeze3A_318 = vector.shape_cast %slice3A_317 : vector<1x8x2048xf32> to vector<8x2048xf32>
    %gt3A_319 = arith.cmpf ogt, %squeeze3A_318, %select_n3A_313 : vector<8x2048xf32>
    %select_n3A_320 = arith.select %gt3A_319, %squeeze3A_318, %select_n3A_313 : vector<8x2048xi1>, vector<8x2048xf32>
    %jit3A_321 = arith.constant 43 : i32
    %broadcast_in_dim3A_322 = vector.broadcast %jit3A_321 : i32 to vector<8x2048xi32>
    %select_n3A_323 = arith.select %gt3A_319, %broadcast_in_dim3A_322, %select_n3A_316 : vector<8x2048xi1>, vector<8x2048xi32>
    %slice3A_324 = vector.extract_strided_slice %reshape3A_23 {offsets = [44, 0, 0], sizes = [1, 8, 2048], strides = [1, 1, 1]} : vector<64x8x2048xf32> to vector<1x8x2048xf32>
    %squeeze3A_325 = vector.shape_cast %slice3A_324 : vector<1x8x2048xf32> to vector<8x2048xf32>
    %gt3A_326 = arith.cmpf ogt, %squeeze3A_325, %select_n3A_320 : vector<8x2048xf32>
    %select_n3A_327 = arith.select %gt3A_326, %squeeze3A_325, %select_n3A_320 : vector<8x2048xi1>, vector<8x2048xf32>
    %jit3A_328 = arith.constant 44 : i32
    %broadcast_in_dim3A_329 = vector.broadcast %jit3A_328 : i32 to vector<8x2048xi32>
    %select_n3A_330 = arith.select %gt3A_326, %broadcast_in_dim3A_329, %select_n3A_323 : vector<8x2048xi1>, vector<8x2048xi32>
    %slice3A_331 = vector.extract_strided_slice %reshape3A_23 {offsets = [45, 0, 0], sizes = [1, 8, 2048], strides = [1, 1, 1]} : vector<64x8x2048xf32> to vector<1x8x2048xf32>
    %squeeze3A_332 = vector.shape_cast %slice3A_331 : vector<1x8x2048xf32> to vector<8x2048xf32>
    %gt3A_333 = arith.cmpf ogt, %squeeze3A_332, %select_n3A_327 : vector<8x2048xf32>
    %select_n3A_334 = arith.select %gt3A_333, %squeeze3A_332, %select_n3A_327 : vector<8x2048xi1>, vector<8x2048xf32>
    %jit3A_335 = arith.constant 45 : i32
    %broadcast_in_dim3A_336 = vector.broadcast %jit3A_335 : i32 to vector<8x2048xi32>
    %select_n3A_337 = arith.select %gt3A_333, %broadcast_in_dim3A_336, %select_n3A_330 : vector<8x2048xi1>, vector<8x2048xi32>
    %slice3A_338 = vector.extract_strided_slice %reshape3A_23 {offsets = [46, 0, 0], sizes = [1, 8, 2048], strides = [1, 1, 1]} : vector<64x8x2048xf32> to vector<1x8x2048xf32>
    %squeeze3A_339 = vector.shape_cast %slice3A_338 : vector<1x8x2048xf32> to vector<8x2048xf32>
    %gt3A_340 = arith.cmpf ogt, %squeeze3A_339, %select_n3A_334 : vector<8x2048xf32>
    %select_n3A_341 = arith.select %gt3A_340, %squeeze3A_339, %select_n3A_334 : vector<8x2048xi1>, vector<8x2048xf32>
    %jit3A_342 = arith.constant 46 : i32
    %broadcast_in_dim3A_343 = vector.broadcast %jit3A_342 : i32 to vector<8x2048xi32>
    %select_n3A_344 = arith.select %gt3A_340, %broadcast_in_dim3A_343, %select_n3A_337 : vector<8x2048xi1>, vector<8x2048xi32>
    %slice3A_345 = vector.extract_strided_slice %reshape3A_23 {offsets = [47, 0, 0], sizes = [1, 8, 2048], strides = [1, 1, 1]} : vector<64x8x2048xf32> to vector<1x8x2048xf32>
    %squeeze3A_346 = vector.shape_cast %slice3A_345 : vector<1x8x2048xf32> to vector<8x2048xf32>
    %gt3A_347 = arith.cmpf ogt, %squeeze3A_346, %select_n3A_341 : vector<8x2048xf32>
    %select_n3A_348 = arith.select %gt3A_347, %squeeze3A_346, %select_n3A_341 : vector<8x2048xi1>, vector<8x2048xf32>
    %jit3A_349 = arith.constant 47 : i32
    %broadcast_in_dim3A_350 = vector.broadcast %jit3A_349 : i32 to vector<8x2048xi32>
    %select_n3A_351 = arith.select %gt3A_347, %broadcast_in_dim3A_350, %select_n3A_344 : vector<8x2048xi1>, vector<8x2048xi32>
    %slice3A_352 = vector.extract_strided_slice %reshape3A_23 {offsets = [48, 0, 0], sizes = [1, 8, 2048], strides = [1, 1, 1]} : vector<64x8x2048xf32> to vector<1x8x2048xf32>
    %squeeze3A_353 = vector.shape_cast %slice3A_352 : vector<1x8x2048xf32> to vector<8x2048xf32>
    %gt3A_354 = arith.cmpf ogt, %squeeze3A_353, %select_n3A_348 : vector<8x2048xf32>
    %select_n3A_355 = arith.select %gt3A_354, %squeeze3A_353, %select_n3A_348 : vector<8x2048xi1>, vector<8x2048xf32>
    %jit3A_356 = arith.constant 48 : i32
    %broadcast_in_dim3A_357 = vector.broadcast %jit3A_356 : i32 to vector<8x2048xi32>
    %select_n3A_358 = arith.select %gt3A_354, %broadcast_in_dim3A_357, %select_n3A_351 : vector<8x2048xi1>, vector<8x2048xi32>
    %slice3A_359 = vector.extract_strided_slice %reshape3A_23 {offsets = [49, 0, 0], sizes = [1, 8, 2048], strides = [1, 1, 1]} : vector<64x8x2048xf32> to vector<1x8x2048xf32>
    %squeeze3A_360 = vector.shape_cast %slice3A_359 : vector<1x8x2048xf32> to vector<8x2048xf32>
    %gt3A_361 = arith.cmpf ogt, %squeeze3A_360, %select_n3A_355 : vector<8x2048xf32>
    %select_n3A_362 = arith.select %gt3A_361, %squeeze3A_360, %select_n3A_355 : vector<8x2048xi1>, vector<8x2048xf32>
    %jit3A_363 = arith.constant 49 : i32
    %broadcast_in_dim3A_364 = vector.broadcast %jit3A_363 : i32 to vector<8x2048xi32>
    %select_n3A_365 = arith.select %gt3A_361, %broadcast_in_dim3A_364, %select_n3A_358 : vector<8x2048xi1>, vector<8x2048xi32>
    %slice3A_366 = vector.extract_strided_slice %reshape3A_23 {offsets = [50, 0, 0], sizes = [1, 8, 2048], strides = [1, 1, 1]} : vector<64x8x2048xf32> to vector<1x8x2048xf32>
    %squeeze3A_367 = vector.shape_cast %slice3A_366 : vector<1x8x2048xf32> to vector<8x2048xf32>
    %gt3A_368 = arith.cmpf ogt, %squeeze3A_367, %select_n3A_362 : vector<8x2048xf32>
    %select_n3A_369 = arith.select %gt3A_368, %squeeze3A_367, %select_n3A_362 : vector<8x2048xi1>, vector<8x2048xf32>
    %jit3A_370 = arith.constant 50 : i32
    %broadcast_in_dim3A_371 = vector.broadcast %jit3A_370 : i32 to vector<8x2048xi32>
    %select_n3A_372 = arith.select %gt3A_368, %broadcast_in_dim3A_371, %select_n3A_365 : vector<8x2048xi1>, vector<8x2048xi32>
    %slice3A_373 = vector.extract_strided_slice %reshape3A_23 {offsets = [51, 0, 0], sizes = [1, 8, 2048], strides = [1, 1, 1]} : vector<64x8x2048xf32> to vector<1x8x2048xf32>
    %squeeze3A_374 = vector.shape_cast %slice3A_373 : vector<1x8x2048xf32> to vector<8x2048xf32>
    %gt3A_375 = arith.cmpf ogt, %squeeze3A_374, %select_n3A_369 : vector<8x2048xf32>
    %select_n3A_376 = arith.select %gt3A_375, %squeeze3A_374, %select_n3A_369 : vector<8x2048xi1>, vector<8x2048xf32>
    %jit3A_377 = arith.constant 51 : i32
    %broadcast_in_dim3A_378 = vector.broadcast %jit3A_377 : i32 to vector<8x2048xi32>
    %select_n3A_379 = arith.select %gt3A_375, %broadcast_in_dim3A_378, %select_n3A_372 : vector<8x2048xi1>, vector<8x2048xi32>
    %slice3A_380 = vector.extract_strided_slice %reshape3A_23 {offsets = [52, 0, 0], sizes = [1, 8, 2048], strides = [1, 1, 1]} : vector<64x8x2048xf32> to vector<1x8x2048xf32>
    %squeeze3A_381 = vector.shape_cast %slice3A_380 : vector<1x8x2048xf32> to vector<8x2048xf32>
    %gt3A_382 = arith.cmpf ogt, %squeeze3A_381, %select_n3A_376 : vector<8x2048xf32>
    %select_n3A_383 = arith.select %gt3A_382, %squeeze3A_381, %select_n3A_376 : vector<8x2048xi1>, vector<8x2048xf32>
    %jit3A_384 = arith.constant 52 : i32
    %broadcast_in_dim3A_385 = vector.broadcast %jit3A_384 : i32 to vector<8x2048xi32>
    %select_n3A_386 = arith.select %gt3A_382, %broadcast_in_dim3A_385, %select_n3A_379 : vector<8x2048xi1>, vector<8x2048xi32>
    %slice3A_387 = vector.extract_strided_slice %reshape3A_23 {offsets = [53, 0, 0], sizes = [1, 8, 2048], strides = [1, 1, 1]} : vector<64x8x2048xf32> to vector<1x8x2048xf32>
    %squeeze3A_388 = vector.shape_cast %slice3A_387 : vector<1x8x2048xf32> to vector<8x2048xf32>
    %gt3A_389 = arith.cmpf ogt, %squeeze3A_388, %select_n3A_383 : vector<8x2048xf32>
    %select_n3A_390 = arith.select %gt3A_389, %squeeze3A_388, %select_n3A_383 : vector<8x2048xi1>, vector<8x2048xf32>
    %jit3A_391 = arith.constant 53 : i32
    %broadcast_in_dim3A_392 = vector.broadcast %jit3A_391 : i32 to vector<8x2048xi32>
    %select_n3A_393 = arith.select %gt3A_389, %broadcast_in_dim3A_392, %select_n3A_386 : vector<8x2048xi1>, vector<8x2048xi32>
    %slice3A_394 = vector.extract_strided_slice %reshape3A_23 {offsets = [54, 0, 0], sizes = [1, 8, 2048], strides = [1, 1, 1]} : vector<64x8x2048xf32> to vector<1x8x2048xf32>
    %squeeze3A_395 = vector.shape_cast %slice3A_394 : vector<1x8x2048xf32> to vector<8x2048xf32>
    %gt3A_396 = arith.cmpf ogt, %squeeze3A_395, %select_n3A_390 : vector<8x2048xf32>
    %select_n3A_397 = arith.select %gt3A_396, %squeeze3A_395, %select_n3A_390 : vector<8x2048xi1>, vector<8x2048xf32>
    %jit3A_398 = arith.constant 54 : i32
    %broadcast_in_dim3A_399 = vector.broadcast %jit3A_398 : i32 to vector<8x2048xi32>
    %select_n3A_400 = arith.select %gt3A_396, %broadcast_in_dim3A_399, %select_n3A_393 : vector<8x2048xi1>, vector<8x2048xi32>
    %slice3A_401 = vector.extract_strided_slice %reshape3A_23 {offsets = [55, 0, 0], sizes = [1, 8, 2048], strides = [1, 1, 1]} : vector<64x8x2048xf32> to vector<1x8x2048xf32>
    %squeeze3A_402 = vector.shape_cast %slice3A_401 : vector<1x8x2048xf32> to vector<8x2048xf32>
    %gt3A_403 = arith.cmpf ogt, %squeeze3A_402, %select_n3A_397 : vector<8x2048xf32>
    %select_n3A_404 = arith.select %gt3A_403, %squeeze3A_402, %select_n3A_397 : vector<8x2048xi1>, vector<8x2048xf32>
    %jit3A_405 = arith.constant 55 : i32
    %broadcast_in_dim3A_406 = vector.broadcast %jit3A_405 : i32 to vector<8x2048xi32>
    %select_n3A_407 = arith.select %gt3A_403, %broadcast_in_dim3A_406, %select_n3A_400 : vector<8x2048xi1>, vector<8x2048xi32>
    %slice3A_408 = vector.extract_strided_slice %reshape3A_23 {offsets = [56, 0, 0], sizes = [1, 8, 2048], strides = [1, 1, 1]} : vector<64x8x2048xf32> to vector<1x8x2048xf32>
    %squeeze3A_409 = vector.shape_cast %slice3A_408 : vector<1x8x2048xf32> to vector<8x2048xf32>
    %gt3A_410 = arith.cmpf ogt, %squeeze3A_409, %select_n3A_404 : vector<8x2048xf32>
    %select_n3A_411 = arith.select %gt3A_410, %squeeze3A_409, %select_n3A_404 : vector<8x2048xi1>, vector<8x2048xf32>
    %jit3A_412 = arith.constant 56 : i32
    %broadcast_in_dim3A_413 = vector.broadcast %jit3A_412 : i32 to vector<8x2048xi32>
    %select_n3A_414 = arith.select %gt3A_410, %broadcast_in_dim3A_413, %select_n3A_407 : vector<8x2048xi1>, vector<8x2048xi32>
    %slice3A_415 = vector.extract_strided_slice %reshape3A_23 {offsets = [57, 0, 0], sizes = [1, 8, 2048], strides = [1, 1, 1]} : vector<64x8x2048xf32> to vector<1x8x2048xf32>
    %squeeze3A_416 = vector.shape_cast %slice3A_415 : vector<1x8x2048xf32> to vector<8x2048xf32>
    %gt3A_417 = arith.cmpf ogt, %squeeze3A_416, %select_n3A_411 : vector<8x2048xf32>
    %select_n3A_418 = arith.select %gt3A_417, %squeeze3A_416, %select_n3A_411 : vector<8x2048xi1>, vector<8x2048xf32>
    %jit3A_419 = arith.constant 57 : i32
    %broadcast_in_dim3A_420 = vector.broadcast %jit3A_419 : i32 to vector<8x2048xi32>
    %select_n3A_421 = arith.select %gt3A_417, %broadcast_in_dim3A_420, %select_n3A_414 : vector<8x2048xi1>, vector<8x2048xi32>
    %slice3A_422 = vector.extract_strided_slice %reshape3A_23 {offsets = [58, 0, 0], sizes = [1, 8, 2048], strides = [1, 1, 1]} : vector<64x8x2048xf32> to vector<1x8x2048xf32>
    %squeeze3A_423 = vector.shape_cast %slice3A_422 : vector<1x8x2048xf32> to vector<8x2048xf32>
    %gt3A_424 = arith.cmpf ogt, %squeeze3A_423, %select_n3A_418 : vector<8x2048xf32>
    %select_n3A_425 = arith.select %gt3A_424, %squeeze3A_423, %select_n3A_418 : vector<8x2048xi1>, vector<8x2048xf32>
    %jit3A_426 = arith.constant 58 : i32
    %broadcast_in_dim3A_427 = vector.broadcast %jit3A_426 : i32 to vector<8x2048xi32>
    %select_n3A_428 = arith.select %gt3A_424, %broadcast_in_dim3A_427, %select_n3A_421 : vector<8x2048xi1>, vector<8x2048xi32>
    %slice3A_429 = vector.extract_strided_slice %reshape3A_23 {offsets = [59, 0, 0], sizes = [1, 8, 2048], strides = [1, 1, 1]} : vector<64x8x2048xf32> to vector<1x8x2048xf32>
    %squeeze3A_430 = vector.shape_cast %slice3A_429 : vector<1x8x2048xf32> to vector<8x2048xf32>
    %gt3A_431 = arith.cmpf ogt, %squeeze3A_430, %select_n3A_425 : vector<8x2048xf32>
    %select_n3A_432 = arith.select %gt3A_431, %squeeze3A_430, %select_n3A_425 : vector<8x2048xi1>, vector<8x2048xf32>
    %jit3A_433 = arith.constant 59 : i32
    %broadcast_in_dim3A_434 = vector.broadcast %jit3A_433 : i32 to vector<8x2048xi32>
    %select_n3A_435 = arith.select %gt3A_431, %broadcast_in_dim3A_434, %select_n3A_428 : vector<8x2048xi1>, vector<8x2048xi32>
    %slice3A_436 = vector.extract_strided_slice %reshape3A_23 {offsets = [60, 0, 0], sizes = [1, 8, 2048], strides = [1, 1, 1]} : vector<64x8x2048xf32> to vector<1x8x2048xf32>
    %squeeze3A_437 = vector.shape_cast %slice3A_436 : vector<1x8x2048xf32> to vector<8x2048xf32>
    %gt3A_438 = arith.cmpf ogt, %squeeze3A_437, %select_n3A_432 : vector<8x2048xf32>
    %select_n3A_439 = arith.select %gt3A_438, %squeeze3A_437, %select_n3A_432 : vector<8x2048xi1>, vector<8x2048xf32>
    %jit3A_440 = arith.constant 60 : i32
    %broadcast_in_dim3A_441 = vector.broadcast %jit3A_440 : i32 to vector<8x2048xi32>
    %select_n3A_442 = arith.select %gt3A_438, %broadcast_in_dim3A_441, %select_n3A_435 : vector<8x2048xi1>, vector<8x2048xi32>
    %slice3A_443 = vector.extract_strided_slice %reshape3A_23 {offsets = [61, 0, 0], sizes = [1, 8, 2048], strides = [1, 1, 1]} : vector<64x8x2048xf32> to vector<1x8x2048xf32>
    %squeeze3A_444 = vector.shape_cast %slice3A_443 : vector<1x8x2048xf32> to vector<8x2048xf32>
    %gt3A_445 = arith.cmpf ogt, %squeeze3A_444, %select_n3A_439 : vector<8x2048xf32>
    %select_n3A_446 = arith.select %gt3A_445, %squeeze3A_444, %select_n3A_439 : vector<8x2048xi1>, vector<8x2048xf32>
    %jit3A_447 = arith.constant 61 : i32
    %broadcast_in_dim3A_448 = vector.broadcast %jit3A_447 : i32 to vector<8x2048xi32>
    %select_n3A_449 = arith.select %gt3A_445, %broadcast_in_dim3A_448, %select_n3A_442 : vector<8x2048xi1>, vector<8x2048xi32>
    %slice3A_450 = vector.extract_strided_slice %reshape3A_23 {offsets = [62, 0, 0], sizes = [1, 8, 2048], strides = [1, 1, 1]} : vector<64x8x2048xf32> to vector<1x8x2048xf32>
    %squeeze3A_451 = vector.shape_cast %slice3A_450 : vector<1x8x2048xf32> to vector<8x2048xf32>
    %gt3A_452 = arith.cmpf ogt, %squeeze3A_451, %select_n3A_446 : vector<8x2048xf32>
    %select_n3A_453 = arith.select %gt3A_452, %squeeze3A_451, %select_n3A_446 : vector<8x2048xi1>, vector<8x2048xf32>
    %jit3A_454 = arith.constant 62 : i32
    %broadcast_in_dim3A_455 = vector.broadcast %jit3A_454 : i32 to vector<8x2048xi32>
    %select_n3A_456 = arith.select %gt3A_452, %broadcast_in_dim3A_455, %select_n3A_449 : vector<8x2048xi1>, vector<8x2048xi32>
    %slice3A_457 = vector.extract_strided_slice %reshape3A_23 {offsets = [63, 0, 0], sizes = [1, 8, 2048], strides = [1, 1, 1]} : vector<64x8x2048xf32> to vector<1x8x2048xf32>
    %squeeze3A_458 = vector.shape_cast %slice3A_457 : vector<1x8x2048xf32> to vector<8x2048xf32>
    %gt3A_459 = arith.cmpf ogt, %squeeze3A_458, %select_n3A_453 : vector<8x2048xf32>
    %select_n3A_460 = arith.select %gt3A_459, %squeeze3A_458, %select_n3A_453 : vector<8x2048xi1>, vector<8x2048xf32>
    %jit3A_461 = arith.constant 63 : i32
    %broadcast_in_dim3A_462 = vector.broadcast %jit3A_461 : i32 to vector<8x2048xi32>
    %select_n3A_463 = arith.select %gt3A_459, %broadcast_in_dim3A_462, %select_n3A_456 : vector<8x2048xi1>, vector<8x2048xi32>
    %iota3A = tpu.iota {dimensions = array<i32: 0>} : vector<8x2048xi32>
    %mul3A_464 = arith.constant 8 : i32
    %mul3A_465 = vector.broadcast %mul3A_464 : i32 to vector<8x2048xi32>
    %mul3A_466 = arith.muli %select_n3A_463, %mul3A_465 : vector<8x2048xi32>
    %add3A_467 = arith.addi %mul3A_466, %iota3A : vector<8x2048xi32>
    %reduce_max3A = arith.constant dense<0xFF800000> : vector<2048xf32>
    %reduce_max3A_468 = vector.multi_reduction <maximumf>, %select_n3A_460, %reduce_max3A [0] : vector<8x2048xf32> to vector<2048xf32>
    %broadcast_in_dim3A_469 = vector.shape_cast %reduce_max3A_468 : vector<2048xf32> to vector<1x2048xf32>
    %eq3A_470 = vector.broadcast %broadcast_in_dim3A_469 : vector<1x2048xf32> to vector<8x2048xf32>
    %eq3A_471 = arith.cmpf oeq, %select_n3A_460, %eq3A_470 : vector<8x2048xf32>
    %jit3A_472 = arith.constant 512 : i32
    %broadcast_in_dim3A_473 = vector.broadcast %jit3A_472 : i32 to vector<8x2048xi32>
    %select_n3A_474 = arith.select %eq3A_471, %add3A_467, %broadcast_in_dim3A_473 : vector<8x2048xi1>, vector<8x2048xi32>
    %reduce_min3A = arith.constant dense<2147483647> : vector<2048xi32>
    %reduce_min3A_475 = vector.multi_reduction <minsi>, %select_n3A_474, %reduce_min3A [0] : vector<8x2048xi32> to vector<2048xi32>
    %swap3A = arith.constant 0 : index
    %swap3A_476 = arith.constant 0 : index
    %swap3A_477 = arith.constant 0 : index
    %swap3A_478 = vector.load %arg7[%swap3A, %swap3A_476, %swap3A_477] : memref<1x1x2048xi32, #tpu.memory_space<vmem>>, vector<1x1x2048xi32>
    %swap3A_479 = vector.shape_cast %swap3A_478 : vector<1x1x2048xi32> to vector<2048xi32>
    %swap3A_480 = vector.shape_cast %reduce_min3A_475 : vector<2048xi32> to vector<1x1x2048xi32>
    tpu.vector_store %arg7[%swap3A, %swap3A_476, %swap3A_477], %swap3A_480 {strides = array<i32>} : memref<1x1x2048xi32, #tpu.memory_space<vmem>>, vector<1x1x2048xi32>,
    %mul3A_481 = arith.mulf %add3A_15, %add3A_15 : vector<2048x32xf32>
    %reduce_sum3A_482 = vector.shape_cast %mul3A_481 : vector<2048x32xf32> to vector<1x2048x32xf32>
    %reduce_sum3A_483 = arith.constant dense<0.000000e+00> : vector<1xf32>
    %reduce_sum3A_484 = vector.multi_reduction <add>, %reduce_sum3A_482, %reduce_sum3A_483 [1, 2] : vector<1x2048x32xf32> to vector<1xf32>
    %reduce_sum3A_485 = vector.shape_cast %reduce_sum3A_484 : vector<1xf32> to vector<1x1x1xf32>
    %reduce_sum3A_486 = vector.extract %reduce_sum3A_485[0, 0, 0] : f32 from vector<1x1x1xf32>
    %reduce_sum3A_487 = vector.shape_cast %reduce_max3A_468 : vector<2048xf32> to vector<1x2048xf32>
    %reduce_sum3A_488 = arith.constant dense<0.000000e+00> : vector<1xf32>
    %reduce_sum3A_489 = vector.multi_reduction <add>, %reduce_sum3A_487, %reduce_sum3A_488 [1] : vector<1x2048xf32> to vector<1xf32>
    %reduce_sum3A_490 = vector.shape_cast %reduce_sum3A_489 : vector<1xf32> to vector<1x1xf32>
    %reduce_sum3A_491 = vector.extract %reduce_sum3A_490[0, 0] : f32 from vector<1x1xf32>
    %sub3A_492 = arith.subf %reduce_sum3A_486, %reduce_sum3A_491 : f32
    %reshape3A_493 = vector.broadcast %sub3A_492 : f32 to vector<1x1xf32>
    %eq3A_494 = arith.constant 0 : i32
    %eq3A_495 = arith.cmpi eq, %arg0, %eq3A_494 : i32
    %broadcast_in_dim3A_496 = arith.constant 0.000000e+00 : f32
    %broadcast_in_dim3A_497 = vector.broadcast %broadcast_in_dim3A_496 : f32 to vector<1x1xf32>
    %get3A_498 = arith.constant 0 : index
    %get3A_499 = arith.constant 0 : index
    %get3A_500 = vector.load %arg8[%get3A_498, %get3A_499] : memref<1x1xf32, #tpu.memory_space<vmem>>, vector<1x1xf32>
    %select_n3A_501 = arith.select %eq3A_495, %broadcast_in_dim3A_497, %get3A_500 : vector<1x1xf32>
    %add3A_502 = arith.addf %select_n3A_501, %reshape3A_493 : vector<1x1xf32>
    %swap3A_503 = arith.constant 0 : index
    %swap3A_504 = arith.constant 0 : index
    %swap3A_505 = vector.load %arg8[%swap3A_503, %swap3A_504] : memref<1x1xf32, #tpu.memory_space<vmem>>, vector<1x1xf32>
    tpu.vector_store %arg8[%swap3A_503, %swap3A_504], %add3A_502 {strides = array<i32>} : memref<1x1xf32, #tpu.memory_space<vmem>>, vector<1x1xf32>,
    return
  }
  func.func @transform_0(%arg0: i32) -> (i32, i32, i32) {
    %add3A = arith.constant 28 : i32
    %add3A_0 = arith.addi %arg0, %add3A : i32
    %c0_i32 = arith.constant 0 : i32
    %c0_i32_1 = arith.constant 0 : i32
    %c0_i32_2 = arith.constant 0 : i32
    return %add3A_0, %c0_i32, %c0_i32_1 : i32, i32, i32
  }
  func.func @transform_1(%arg0: i32) -> (i32, i32) {
    %c0_i32 = arith.constant 0 : i32
    %c0_i32_0 = arith.constant 0 : i32
    %c0_i32_1 = arith.constant 0 : i32
    return %c0_i32, %c0_i32_0 : i32, i32
  }
  func.func @transform_2(%arg0: i32) -> (i32, i32) {
    %c0_i32 = arith.constant 0 : i32
    %c0_i32_0 = arith.constant 0 : i32
    %c0_i32_1 = arith.constant 0 : i32
    return %c0_i32, %c0_i32_0 : i32, i32
  }
  func.func @transform_3(%arg0: i32) -> (i32, i32) {
    %c0_i32 = arith.constant 0 : i32
    %c0_i32_0 = arith.constant 0 : i32
    %c0_i32_1 = arith.constant 0 : i32
    return %c0_i32, %c0_i32_0 : i32, i32
  }
  func.func @transform_4(%arg0: i32) -> (i32, i32) {
    %c0_i32 = arith.constant 0 : i32
    %c0_i32_0 = arith.constant 0 : i32
    %c0_i32_1 = arith.constant 0 : i32
    return %c0_i32, %c0_i32_0 : i32, i32
  }
  func.func @transform_5(%arg0: i32) -> (i32, i32) {
    %c0_i32 = arith.constant 0 : i32
    %c0_i32_0 = arith.constant 0 : i32
    %c0_i32_1 = arith.constant 0 : i32
    return %c0_i32, %c0_i32_0 : i32, i32
  }
  func.func @transform_6(%arg0: i32) -> (i32, i32, i32) {
    %c0_i32 = arith.constant 0 : i32
    %c0_i32_0 = arith.constant 0 : i32
    %c0_i32_1 = arith.constant 0 : i32
    return %arg0, %c0_i32, %c0_i32_0 : i32, i32, i32
  }
  func.func @transform_7(%arg0: i32) -> (i32, i32) {
    %c0_i32 = arith.constant 0 : i32
    %c0_i32_0 = arith.constant 0 : i32
    %c0_i32_1 = arith.constant 0 : i32
    return %c0_i32, %c0_i32_0 : i32, i32
  }
  func.func @transform_8(%arg0: i32) -> (i32, i32) {
    %c0_i32 = arith.constant 0 : i32
    %c0_i32_0 = arith.constant 0 : i32
    %c0_i32_1 = arith.constant 0 : i32
    return %c0_i32, %c0_i32_0 : i32, i32
  }
}

module attributes {stable_mosaic.version = 14 : i64} {
  func.func @_slice_alias_body(%arg0: i32, %arg1: memref<4x1024x128xf32, #tpu.memory_space<vmem>>, %arg2: memref<64x1024x96xf32, #tpu.memory_space<any>>, %arg3: memref<4x1024x96xf32, #tpu.memory_space<vmem>>) attributes {dimension_semantics = [#tpu.dimension_semantics<arbitrary>], iteration_bounds = array<i64: 2>, scalar_prefetch = 0 : i64, scratch_operands = 0 : i64, tpu.core_type = #tpu.core_type<tc>, window_params = [{transform_indices = @transform_0, window_bounds = array<i64: 4, 1024, 128>}, {}, {transform_indices = @transform_2, window_bounds = array<i64: 4, 1024, 96>}]} {
    %get3A = arith.constant 0 : index
    %get3A_0 = arith.constant 0 : index
    %get3A_1 = arith.constant 0 : index
    %get3A_2 = vector.load %arg1[%get3A, %get3A_0, %get3A_1] : memref<4x1024x128xf32, #tpu.memory_space<vmem>>, vector<4x1024x96xf32>
    %swap3A = arith.constant 0 : index
    %swap3A_3 = arith.constant 0 : index
    %swap3A_4 = arith.constant 0 : index
    %swap3A_5 = vector.load %arg3[%swap3A, %swap3A_3, %swap3A_4] : memref<4x1024x96xf32, #tpu.memory_space<vmem>>, vector<4x1024x96xf32>
    tpu.vector_store %arg3[%swap3A, %swap3A_3, %swap3A_4], %get3A_2 {strides = array<i32>} : memref<4x1024x96xf32, #tpu.memory_space<vmem>>, vector<4x1024x96xf32>,
    return
  }
  func.func @transform_0(%arg0: i32) -> (i32, i32, i32) {
    %c0_i32 = arith.constant 0 : i32
    %c0_i32_0 = arith.constant 0 : i32
    %c0_i32_1 = arith.constant 0 : i32
    return %arg0, %c0_i32, %c0_i32_0 : i32, i32, i32
  }
  func.func @transform_2(%arg0: i32) -> (i32, i32, i32) {
    %add3A = arith.constant 14 : i32
    %add3A_0 = arith.addi %arg0, %add3A : i32
    %c0_i32 = arith.constant 0 : i32
    %c0_i32_1 = arith.constant 0 : i32
    %c0_i32_2 = arith.constant 0 : i32
    return %add3A_0, %c0_i32, %c0_i32_1 : i32, i32, i32
  }
}

</mosaic_0001>

<sc_bundles>
// kernel: kernel.6.cloned.1.call-start
scs
__scs_entry_jumppad:
0x0: {  	(pc) =	sbr.rel $0x88, $3  }
0x1: {  	(tag) =	ssettag $0x0;
	lr =	simm.s32 $0x1  }
0x2: {  	[smem:$0x3F9B] =	sst lr;
	_ =	strace $0xD0000000  }
0x3: {  	_ = 	snop  }
0x4: {  	_ = 	snop  }
0x5: {  	_ = 	snop  }
0x6: {  	_ = 	snop  }
0x7: {  	_ = 	snop  }
__scs_overlays_trampoline_lowered:
0x8: {  	[smem:$0x3FAA] =	sst s0  }
0x9: {  	[smem:$0x3FAB] =	sst s1  }
0xa: {  	[smem:$0x3FAC] =	sst s2  }
0xb: {  	[smem:$0x3FAD] =	sst s3  }
0xc: {  	[smem:$0x3FAE] =	sst s4  }
0xd: {  	[smem:$0x3FAF] =	sst s5  }
0xe: {  	[smem:$0x3FB0] =	sst s6  }
0xf: {  	[smem:$0x3FB1] =	sst s7  }
0x10: {  	[smem:$0x3FB2] =	sst s8  }
0x11: {  	[smem:$0x3FB3] =	sst s9;
	s0 =	simm.s32 @!p0 $0x0  }
0x12: {  	s1 =	sld [smem:$0x3F99];
	s0 =	simm.s32 @p0 $0x1  }
0x13: {  	[smem:$0x3FB4] =	sst s0;
	s0 =	simm.s32 @!p1 $0x0  }
0x14: {  	s2 =	sld [smem:$0x3F98];
	s0 =	simm.s32 @p1 $0x1  }
0x15: {  	[smem:$0x3FB5] =	sst s0;
	s0 =	simm.s32 @!p2 $0x0  }
0x16: {  	s3 =	sld [smem:$0x3FDB];
	s0 =	simm.s32 @p2 $0x1  }
0x17: {  	s4 =	simm.s32 $0x1BF5;
	[smem:$0x3FB7] =	sst s0  }
0x18: {  	s0 =	sld [smem:$0x3F9A];
	_ =	swait.ge [sflag:s4], $0x0  }
0x19: {  	s7 =	sld [smem:$0x3F9B]  }
0x1a: {  	s8 =	sadd.s32 $0xFFFFE003, lr  }
0x1b: {  	s9 =	sadd.s32 $0xFFFFFEF7, lr;
	s5 =	simm.s32 $0xFFFFFFFF;
	p2 =	slt.u32 s8, $0xFFFFF086  }
0x1c: {  	p1 =	slt.u32 s9, $0xF7A;
	s5 =	simm.s32 @!p2 $0x0  }
0x1d: {  	s5 =	simm.s32 @p1 $0x1;
	p0 =	seq.s32 s7, s2  }
0x1e: {  	s7 =	smul.u32 @!p0 $0xF7A, s2;
	p2 =	seq.s32 @!p0 s5, $0x0  }
0x1f: {  	s9 =	smul.u32 $0xF7A, s1;
	s8 =	simm.s32 @!p0 $0x1BF5;
	p2 =	por !p2, p0  }
0x20: {  	[sflag:s8] =	ssyncset.s32 @!p0 $0xFFFFF086;
	s6 =	sadd.s32 @!p0 s3, s7;
	s7 =	simm.s32 @!p0 $0x108  }
0x21: {  	s3 =	sadd.s32 s3, s9;
	s6 =	sadd.s32 @!p0 $0x88, s6;
	s7 =	simm.s32 @p2 $0x1082  }
0x22: {  	[simem:s7], [sflag:s8] =	dma.local @!p0 [hbm:s6], $0xF7A  }
0x23: {  	s9 =	sor.u32 $0xD0000000, s2;
	s6 =	simm.s32 $0x108;
	_ =	swait.ge @!p0 [sflag:s8], $0x0  }
0x24: {  	s3 =	sadd.s32 $0x88, s3;
	s6 =	simm.s32 @!p1 $0x1082;
	[sflag:s4] =	ssyncset.s32 $0xFFFFF086  }
0x25: {  	[simem:s6], [sflag:s4] =	dma.local [hbm:s3], $0xF7A  }
0x26: {  	[smem:$0x3F9B] =	sst s1;
	(tag) =	ssettag s2;
	_ =	strace s9  }
0x27: {  	s1 =	sld [smem:$0x3FAB]  }
0x28: {  	s2 =	sld [smem:$0x3FAC]  }
0x29: {  	s4 =	sld [smem:$0x3FAE]  }
0x2a: {  	p0 =	seq.s32 s5, $0x0;
	s5 =	sld [smem:$0x3FAF]  }
0x2b: {  	s6 =	sld [smem:$0x3FB0]  }
0x2c: {  	s7 =	sld [smem:$0x3FB1]  }
0x2d: {  	s3 =	simm.s32 $0x108;
	s8 =	sld [smem:$0x3FB2]  }
0x2e: {  	s3 =	simm.s32 @!p0 $0x1082;
	s9 =	sld [smem:$0x3FB3]  }
0x2f: {  	lr =	sadd.s32 s0, s3;
	s0 =	sld [smem:$0x3FAA]  }
0x30: {  	s3 =	sld [smem:$0x3FAD]  }
0x31: {  	[smem:$0x3FB6] =	sst s10  }
0x32: {  	s10 =	sld [smem:$0x3FB4];
	_ =	sdelay $0x3  }
0x33: {  	p0 =	seq.s32 s10, $0x1;
	s10 =	sld [smem:$0x3FB6];
	_ =	sdelay $0x3  }
0x34: {  	[smem:$0x3FB6] =	sst s10  }
0x35: {  	s10 =	sld [smem:$0x3FB5];
	_ =	sdelay $0x3  }
0x36: {  	p1 =	seq.s32 s10, $0x1;
	s10 =	sld [smem:$0x3FB6];
	_ =	sdelay $0x3  }
0x37: {  	[smem:$0x3FB6] =	sst s10  }
0x38: {  	s10 =	sld [smem:$0x3FB7]  }
0x39: {  	_ = 	snop;
	(pc) =	sbr.ind lr, $3  }
0x3a: {  	_ = 	snop  }
0x3b: {  	_ = 	snop  }
0x3c: {  	p2 =	seq.s32 s10, $0x1;
	s10 =	sld [smem:$0x3FB6]  }
0x3d: {  	_ =	shalt  }
0x3e: {  	_ =	shalt  }
0x3f: {  	_ =	shalt  }
0x40: {  	_ =	shalt  }
0x41: {  	_ =	shalt  }
0x42: {  	_ =	shalt  }
0x43: {  	_ =	shalt  }
0x44: {  	_ =	shalt  }
0x45: {  	_ =	shalt  }
0x46: {  	_ =	shalt  }
0x47: {  	_ =	shalt  }
0x48: {  	_ =	shalt  }
0x49: {  	_ =	shalt  }
0x4a: {  	_ =	shalt  }
0x4b: {  	_ =	shalt  }
0x4c: {  	_ =	shalt  }
0x4d: {  	_ =	shalt  }
0x4e: {  	_ =	shalt  }
0x4f: {  	_ =	shalt  }
0x50: {  	_ =	shalt  }
0x51: {  	_ =	shalt  }
0x52: {  	_ =	shalt  }
0x53: {  	_ =	shalt  }
0x54: {  	_ =	shalt  }
0x55: {  	_ =	shalt  }
0x56: {  	_ =	shalt  }
0x57: {  	_ =	shalt  }
0x58: {  	_ =	shalt  }
0x59: {  	_ =	shalt  }
0x5a: {  	_ =	shalt  }
0x5b: {  	_ =	shalt  }
0x5c: {  	_ =	shalt  }
0x5d: {  	_ =	shalt  }
0x5e: {  	_ =	shalt  }
0x5f: {  	_ =	shalt  }
0x60: {  	_ =	shalt  }
0x61: {  	_ =	shalt  }
0x62: {  	_ =	shalt  }
0x63: {  	_ =	shalt  }
0x64: {  	_ =	shalt  }
0x65: {  	_ =	shalt  }
0x66: {  	_ =	shalt  }
0x67: {  	_ =	shalt  }
0x68: {  	_ =	shalt  }
0x69: {  	_ =	shalt  }
0x6a: {  	_ =	shalt  }
0x6b: {  	_ =	shalt  }
0x6c: {  	_ =	shalt  }
0x6d: {  	_ =	shalt  }
0x6e: {  	_ =	shalt  }
0x6f: {  	_ =	shalt  }
0x70: {  	_ =	shalt  }
0x71: {  	_ =	shalt  }
0x72: {  	_ =	shalt  }
0x73: {  	_ =	shalt  }
0x74: {  	_ =	shalt  }
0x75: {  	_ =	shalt  }
0x76: {  	_ =	shalt  }
0x77: {  	_ =	shalt  }
0x78: {  	_ =	shalt  }
0x79: {  	_ =	shalt  }
0x7a: {  	_ =	shalt  }
0x7b: {  	_ =	shalt  }
0x7c: {  	_ =	shalt  }
0x7d: {  	_ =	shalt  }
0x7e: {  	_ =	shalt  }
0x7f: {  	_ =	shalt  }
0x80: {  	_ =	shalt  }
0x81: {  	_ =	shalt  }
0x82: {  	_ =	shalt  }
0x83: {  	_ =	shalt  }
0x84: {  	_ =	shalt  }
0x85: {  	_ =	shalt  }
0x86: {  	_ =	shalt  }
0x87: {  	_ =	shalt  }
.Lfunc_end0:
.L_simem_size_0:
called_computation_lowered:
.L_overlay_start_0:
0x88: {  	s2 =	sld [smem:$0x3FD9]  }
0x89: {  	s3 =	sld [smem:$0x3FFE];
	_ =	sdelay $0x1  }
0x8a: {  	s1 =	srdreg.scid  }
0x8b: {  	s0 =	sand.u32 $0x1, s1  }
0x8c: {  	s14 =	sshll.u32 s0, $0xA;
	s2 =	sadd.s32 s3, s2  }
0x8d: {  	s2 =	sadd.s32 s2, s14  }
0x8e: {  	[smem:$0x3FC2] =	sst s2  }
0x8f: {  	_ = 	snop  }
0x90: {  	s2 =	sld [smem:$0x3FD0];
	_ =	sdelay $0x2  }
0x91: {  	s15 =	simm.s32 $0xA;
	s4 =	simm.s32 $0x10  }
0x92: {  	[smem:s4], [sflag:s15] =	dma.local [hbm:s2], $0x1  }
0x93: {  	_ =	swait.eq [sflag:s15], $0x1  }
0x94: {  	[sflag:s15] =	ssyncset.done $0x0  }
0x95: {  	[sflag:s15] =	ssyncadd.s32 $0xFFFFFFFF  }
0x96: {  	s16 =	sld [smem:$0x10];
	(tm) =	ssettm $0x1  }
0x97: {  	s17 =	sld [smem:$0x3FFB];
	_ =	sdelay $0x3  }
0x98: {  	_ =	strace s17  }
0x99: {  	s3 =	sld [smem:$0x3FFC];
	_ =	sdelay $0x3  }
0x9a: {  	_ =	strace s3  }
0x9b: {  	s3 =	sld [smem:$0x3FFD];
	_ =	sdelay $0x3  }
0x9c: {  	_ =	strace s3  }
0x9d: {  	_ =	strace $0x8FFFFFFF  }
0x9e: {  	s18 =	sld [smem:$0x3FDB];
	_ =	sdelay $0x1  }
0x9f: {  	s19 =	simm.s32 $_scs_section_size  }
0xa0: {  	s5 =	simm.s32 $_size__tile_overlayer_lowered;
	s6 =	simm.s32 $_tile_overlayer_lowered  }
0xa1: {  	s22 =	simm.s32 $0x1BFF;
	s21 =	sshll.u32 s6, $0x1;
	s3 =	sadd.s32 s19, s18  }
0xa2: {  	s7 =	simm.s32 $0x0;
	s20 =	sshll.u32 s5, $0x1;
	s5 =	sadd.s32 s21, s3  }
0xa3: {  	[timem:s7], [sflag:s22] =	dma.local [hbm:s5], s20  }
0xa4: {  	_ =	swait.ge [sflag:s22], s20  }
0xa5: {  	s4 =	ssub.s32 $0x0, s20;
	[sflag:s22] =	ssyncset.done $0x0  }
0xa6: {  	[sflag:s22] =	ssyncadd.s32 s4;
	_ =	sdelay $0x1  }
0xa7: {  	s23 =	simm.s32 $0x1B8B  }
0xa8: {  	_ =	swait.ge [sflag:s23], $0x1  }
0xa9: {  	[sflag:s23] =	ssyncset.done $0x0  }
0xaa: {  	s25 =	simm.s32 $0x1B8E;
	s24 =	sld [smem:$0x3FFE];
	[sflag:s23] =	ssyncadd.s32 $0xFFFFFFFF  }
0xab: {  	s26 =	simm.s32 $execute0_lowered;
	[smem:$0x3FD2] =	sst s25  }
0xac: {  	s5 =	sshll.u32 s26, $0x1;
	_ =	strace $0x80000046;
	[dreg:$0x1] =	wrdreg $0xFFFFFFFF  }
0xad: {  	s28 =	simm.s32 $_size_execute0_lowered;
	s3 =	sadd.s32 s3, s5;
	[dreg:$0x0] =	wrdreg $0x0  }
0xae: {  	s5 =	sshll.u32 s28, $0x1;
	[dreg:$0x2] =	wrdreg s3  }
0xaf: {  	[dreg:$0x3] =	wrdreg s5  }
0xb0: {  	[dreg:$0x4] =	wrdreg $0xC0  }
0xb1: {  	_ =	task [dreg:s7], $0x5FFFF  }
0xb2: {  	[dreg:$0x1] =	wrdreg $0xFFFFFFFF  }
0xb3: {  	[dreg:$0x0] =	wrdreg $0x60  }
0xb4: {  	[dreg:$0x2] =	wrdreg s24  }
0xb5: {  	[dreg:$0x3] =	wrdreg s16  }
0xb6: {  	[dreg:$0x4] =	wrdreg $0x9  }
0xb7: {  	_ =	task.clear_ibuf [dreg:s7], $0x5FFFF;
	_ =	strace $0x90000046  }
0xb8: {  	s29 =	simm.s32 $0x9;
	_ =	strace $0x80000048  }
0xb9: {  	_ =	swait.ge [sflag:s29], $0x1  }
0xba: {  	[sflag:s29] =	ssyncadd.s32 $0xFFFFFFFF  }
0xbb: {  	_ =	strace $0x90000048  }
0xbc: {  	_ =	sfence  }
0xbd: {  	s30 =	sld [smem:$0x0];
	_ =	sdelay $0x2  }
0xbe: {  	s31 =	sshll.u32 s1, $0xD;
	s1 =	sshrl.u32 s1, $0x2  }
0xbf: {  	s3 =	sand.u32 $0x4000, s31;
	s1 =	sadd.s32 s1, s30  }
0xc0: {  	s0 =	sor.u32 s3, s0;
	s1 =	sshll.u32 s1, $0x11  }
0xc1: {  	s0 =	sor.u32 s1, s0  }
0xc2: {  	s0 =	sadd.s32 $0x8F2B, s0  }
0xc3: {  	[sflag:s0] =	ssyncadd.remote.s32 $0x1  }
0xc4: {  	_ =	sfence.sel $0xFFFF  }
0xc5: {  	[dreg:$0x0] =	wrdreg $0xFFFFFFFF;
	(pc) =	sbr.abs _section_cstart, $3  }
0xc6: {  	[dreg:$0x1] =	wrdreg $0xFFFFFFFF  }
0xc7: {  	_ =	task.clear_ibuf [dreg:s7], $0x2FFFF;
	_ =	strace $0x9FFFFFFF  }
0xc8: {  	(tm) =	ssettm $0x7FFFFFFF  }
0xc9: {  	_ =	shalt  }
tec
execute0_lowered:
.L_overlay_start_1:
0x0: {  	(tag) =	ssettag $0x1  }
0x1: {  	s1 =	srdreg.scid  }
0x2: {  	s0 =	stileid.u32;
	s12 =	sand.u32 $0x1, s1  }
0x3: {  	s31 =	sshll.u32 s0, $0x9;
	s2 =	sshll.u32 s12, $0x8  }
0x4: {  	s5 =	rddreg [dreg:$0x0];
	s11 =	sor.u32 s2, s31  }
0x5: {  	s10 =	rddreg [dreg:$0x1];
	s2 =	simm.s32 $0x0;
	s3 =	sshrl.u32 s11, $0x3  }
0x6: {  	s4 =	simm.s32 $0x5;
	[smem:$0x7FF] =	sst s2;
	s3 =	sadd.s32 s3, s5  }
0x7: {  	s1 =	rddreg [dreg:$0x2];
	_ =	strace $0x80000047;
	s3 =	sadd.s32 $0x103200, s3  }
0x8: {  	[tilespmem:s2], [sflag:$0x5] =	stream.linear.gather [hbm4b:s3+s2], $0x100, $0x38;
	[tilespmem:$0xC100] =	vst v63  }
0x9: {  	_ =	swait.ge [sflag:s4], $0x100  }
0xa: {  	s6 =	simm.s32 $0x80;
	[sflag:s4] =	ssyncset.done $0x0  }
0xb: {  	s7 =	simm.s32 $0x100;
	s5 =	sadd.s32 $0x101200, s5;
	[sflag:s4] =	ssyncadd.s32 $0xFFFFFF00  }
0xc: {  	[tilespmem:s7], [sflag:$0x1] =	stream.indirect.gather [hbm4b:s5+s6], $0x80, s2, s6, $0xb8;
	[tilespmem:$0xC100] =	vst v63  }
0xd: {  	s8 =	simm.s32 $0x4100;
	s9 =	simm.s32 $0x1  }
0xe: {  	[tilespmem:s8], [sflag:$0x2] =	stream.indirect.gather [hbm4b:s5+s6], $0x80, s6, s6, $0xb8;
	[tilespmem:$0xC100] =	vst v63  }
0xf: {  	s14 =	ssub.s32 $0x2, s12;
	_ =	swait.ge [sflag:s9], $0x4000  }
0x10: {  	s15 =	sshrl.u32 s14, $0x1;
	s11 =	sshll.u32 s11, $0x4;
	[sflag:s9] =	ssyncset.done $0x0  }
0x11: {  	s10 =	sadd.s32 s10, s11;
	s11 =	simm.s32 $0x2;
	[sflag:s9] =	ssyncadd.s32 $0xFFFFC000  }
0x12: {  	[hbm4b:s10+s2] =	stream.linear.scatter [tilespmem:s7], [sflag:$0x3], $0x4000, $0x38;
	[tilespmem:$0xC100] =	vst v63  }
0x13: {  	s14 =	ssub.s32 s14, s15;
	_ =	swait.ge [sflag:s11], $0x4000  }
0x14: {  	s13 =	simm.s32 $0x3;
	s15 =	smax.u32 s14, $0x1;
	[sflag:s11] =	ssyncset.done $0x0  }
0x15: {  	s12 =	sadd.s32 $0x800, s10;
	p0 =	sne.s32 s15, $0x1;
	[sflag:s11] =	ssyncadd.s32 $0xFFFFC000  }
0x16: {  	[hbm4b:s12+s2] =	stream.linear.scatter [tilespmem:s8], [sflag:$0x4], $0x4000, $0x38;
	[tilespmem:$0xC100] =	vst v63  }
.Ltmp0:
0x17: {  	_ =	swait.ge [sflag:s13], $0x4000;
	(pc) =	sbr.rel @!p0 .LBB2_2-.Ltmp0, $4  }
0x18: {  	[sflag:s13] =	ssyncset.done $0x0  }
0x19: {  	s14 =	simm.s32 $0x4;
	[sflag:s13] =	ssyncadd.s32 $0xFFFFC000  }
0x1a: {  	_ =	swait.ge [sflag:s14], $0x4000  }
0x1b: {  	s15 =	sadd.s32 $0xFFFFFFFF, s15;
	[sflag:s14] =	ssyncset.done $0x0  }
.LBB2_1:
0x1c: {  	p0 =	sne.s32 s15, $0x1;
	s15 =	sadd.s32 $0xFFFFFFFF, s15;
	[sflag:s14] =	ssyncadd.s32 $0xFFFFC000  }
0x1d: {  	[tilespmem:s2], [sflag:$0x5] =	stream.linear.gather [hbm4b:s3+s2], $0x100, $0x38;
	[tilespmem:$0xC100] =	vst v63  }
0x1e: {  	_ =	swait.ge [sflag:s4], $0x100  }
0x1f: {  	[sflag:s4] =	ssyncset.done $0x0  }
0x20: {  	[sflag:s4] =	ssyncadd.s32 $0xFFFFFF00  }
0x21: {  	[tilespmem:s7], [sflag:$0x1] =	stream.indirect.gather [hbm4b:s5+s6], $0x80, s2, s6, $0xb8;
	[tilespmem:$0xC100] =	vst v63  }
0x22: {  	_ = 	snop  }
0x23: {  	[tilespmem:s8], [sflag:$0x2] =	stream.indirect.gather [hbm4b:s5+s6], $0x80, s6, s6, $0xb8;
	[tilespmem:$0xC100] =	vst v63  }
0x24: {  	_ =	swait.ge [sflag:s9], $0x4000  }
0x25: {  	[sflag:s9] =	ssyncset.done $0x0  }
0x26: {  	[sflag:s9] =	ssyncadd.s32 $0xFFFFC000  }
0x27: {  	[hbm4b:s10+s2] =	stream.linear.scatter [tilespmem:s7], [sflag:$0x3], $0x4000, $0x38;
	[tilespmem:$0xC100] =	vst v63  }
0x28: {  	_ =	swait.ge [sflag:s11], $0x4000  }
0x29: {  	[sflag:s11] =	ssyncset.done $0x0  }
0x2a: {  	[sflag:s11] =	ssyncadd.s32 $0xFFFFC000  }
0x2b: {  	[hbm4b:s12+s2] =	stream.linear.scatter [tilespmem:s8], [sflag:$0x4], $0x4000, $0x38;
	[tilespmem:$0xC100] =	vst v63  }
.Ltmp1:
0x2c: {  	_ =	swait.ge [sflag:s13], $0x4000;
	(pc) =	sbr.rel @p0 .LBB2_1-.Ltmp1, $4  }
0x2d: {  	[sflag:s13] =	ssyncset.done $0x0  }
0x2e: {  	[sflag:s13] =	ssyncadd.s32 $0xFFFFC000  }
0x2f: {  	_ =	swait.ge [sflag:s14], $0x4000  }
0x30: {  	[sflag:s14] =	ssyncset.done $0x0  }
.LBB2_2:
0x31: {  	[sflag:s14] =	ssyncadd.s32 $0xFFFFC000  }
0x32: {  	_ =	sfence.sel $0x180000  }
0x33: {  	[bflag:$0x0] =	sbarrier.arrive $0xFFFF  }
0x34: {  	p0 =	sne.s32 s0, $0x0;
	_ =	strace $0x90000047  }
0x35: {  	s0 =	sadd.s32 @!p0 $0x100000, s1;
	[bflag:$0x2] =	sbarrier.arrive $0xFFFF  }
0x36: {  	[sflag:s0] =	ssyncadd.tile.s32 @!p0 $0x1;
	_ =	shalt  }
.Lfunc_end2:
_tile_overlayer_lowered:
.L_overlay_start_2:
0x37: {  	(tag) =	ssettag $0x2  }
0x38: {  	s0 =	rddreg [dreg:$0x0];
	s2 =	stileid.u32  }
0x39: {  	s1 =	rddreg [dreg:$0x1];
	p0 =	sne.s32 s2, $0x0  }
0x3a: {  	s3 =	rddreg [dreg:$0x2];
	[bflag:$0x3] =	sbarrier.arrive $0xFFFF;
	s2 =	simm.s32 @!p0 $0x1C05  }
0x3b: {  	[timem:s3], [sflag:s2] =	dma.local @!p0 [hbm:s0], s1  }
0x3c: {  	s0 =	simm.s32 @!p0 $0x5  }
0x3d: {  	_ =	swait.ge @!p0 [sflag:s0], s1  }
0x3e: {  	s1 =	ssub.s32 @!p0 $0x0, s1;
	[sflag:s0] =	ssyncset.done @!p0 $0x0  }
0x3f: {  	[sflag:s0] =	ssyncadd.s32 @!p0 s1  }
0x40: {  	[bflag:$0x3] =	sbarrier.arrive $0xFFFF  }
0x41: {  	_ =	shalt  }

</sc_bundles>
